<compile_context>
chip_gen: v7x
topology: tpu7x:2x2x1
jax: 0.10.2.dev20260603
libtpu: 0.0.44.dev20260713+nightly
codegen_flags: <defaults>
</compile_context>

<pallas_src>
import functools

import jax
import jax.numpy as jnp
from jax import lax
from jax.experimental import pallas as pl
from jax.experimental.pallas import tpu as pltpu
from jax.experimental.pallas import tpu_sc as plsc

NC = 2
NS = 16
NW = NC * NS
L = 16

N = 50000
E = 1_600_000
NG = 512

C = 128
CPT = 392
KB = 28
EPAD = NW * CPT * C
NP = 51200
RPS = NP // NS

BT = 2048


def _sc_mesh():
    return plsc.VectorSubcoreMesh(
        core_axis_name="c", subcore_axis_name="s",
        num_cores=NC, num_subcores=NS)


def _sc_degree(dstp):

    @functools.partial(
        pl.kernel,
        out_type=jax.ShapeDtypeStruct((NC, NP), jnp.float32),
        mesh=_sc_mesh(),
        compiler_params=pltpu.CompilerParams(use_tc_tiling_on_sc=False),
        scratch_types=[
            pltpu.VMEM_SHARED((NP,), jnp.float32),
            pltpu.VMEM((CPT, C), jnp.int32),
            pltpu.VMEM((C,), jnp.float32),
            pltpu.VMEM((C,), jnp.float32),
            pltpu.SemaphoreType.DMA,
        ],
    )
    def k(dst_hbm, out_hbm, acc, dst_i, ones, zeros, dsem):
        cid = lax.axis_index("c")
        sid = lax.axis_index("s")
        wid = cid * NS + sid

        def fill(i, _):
            ones[pl.ds(i * L, L)] = jnp.full((L,), 1.0, jnp.float32)
            zeros[pl.ds(i * L, L)] = jnp.zeros((L,), jnp.float32)
            return 0
        lax.fori_loop(0, C // L, fill, 0)

        def zero(i, _):
            pltpu.sync_copy(zeros, acc.at[pl.ds(sid * RPS + i * C, C)])
            return 0
        lax.fori_loop(0, RPS // C, zero, 0)
        plsc.subcore_barrier()

        pltpu.sync_copy(dst_hbm.at[wid], dst_i)

        def body(b, _):
            pltpu.sync_copy(ones, acc.at[dst_i.at[b]], add=True)
            return 0
        lax.fori_loop(0, CPT, body, 0)
        plsc.subcore_barrier()

        pltpu.sync_copy(acc.at[pl.ds(sid * RPS, RPS)],
                        out_hbm.at[cid, pl.ds(sid * RPS, RPS)])

    return k(dstp)


def _sc_scatter(g, srcp, dstp, d):

    @functools.partial(
        pl.kernel,
        out_type=jax.ShapeDtypeStruct((NC, NP, d), jnp.float32),
        mesh=_sc_mesh(),
        compiler_params=pltpu.CompilerParams(use_tc_tiling_on_sc=False),
        scratch_types=[
            pltpu.VMEM_SHARED((NP, d), jnp.float32),
            pltpu.VMEM((KB, C), jnp.int32),
            pltpu.VMEM((KB, C), jnp.int32),
            pltpu.VMEM((C, d), jnp.float32),
            pltpu.VMEM((C, d), jnp.float32),
            pltpu.VMEM((C, d), jnp.float32),
            pltpu.VMEM((C, d), jnp.float32),
            pltpu.SemaphoreType.DMA,
            pltpu.SemaphoreType.DMA,
            pltpu.SemaphoreType.DMA,
            pltpu.SemaphoreType.DMA,
            pltpu.SemaphoreType.DMA,
            pltpu.SemaphoreType.DMA,
            pltpu.SemaphoreType.DMA,
            pltpu.SemaphoreType.DMA,
        ],
    )
    def k(g_hbm, src_hbm, dst_hbm, out_hbm,
          acc, src_i, dst_i, rows0, rows1, rows2, rows3,
          gs0, gs1, gs2, gs3, ss0, ss1, ss2, ss3):
        cid = lax.axis_index("c")
        sid = lax.axis_index("s")
        wid = cid * NS + sid
        rows = (rows0, rows1, rows2, rows3)
        gs = (gs0, gs1, gs2, gs3)
        ss = (ss0, ss1, ss2, ss3)

        def fill(i, _):
            rows0[i // (d // L), pl.ds((i % (d // L)) * L, L)] = (
                jnp.zeros((L,), jnp.float32))
            return 0
        lax.fori_loop(0, C * (d // L), fill, 0)

        def zero(i, _):
            pltpu.sync_copy(rows0, acc.at[pl.ds(sid * RPS + i * C, C)])
            return 0
        lax.fori_loop(0, RPS // C, zero, 0)
        plsc.subcore_barrier()

        def gat(b, j):
            pltpu.async_copy(g_hbm.at[src_i.at[b]], rows[j], gs[j])

        def gat_wait(j):
            pltpu.make_async_copy(g_hbm.at[pl.ds(0, C)], rows[j], gs[j]).wait()

        def scat(b, j):
            pltpu.async_copy(rows[j], acc.at[dst_i.at[b]], ss[j], add=True)

        def scat_wait(j):
            pltpu.make_async_copy(rows[j], acc.at[dst_i.at[0]], ss[j]).wait()

        def block(blk, _):
            pltpu.sync_copy(src_hbm.at[wid, pl.ds(blk * KB, KB)], src_i)
            pltpu.sync_copy(dst_hbm.at[wid, pl.ds(blk * KB, KB)], dst_i)
            for t in range(3):
                gat(t, t)

            def quad(q, _):
                for j in range(4):
                    b = 4 * q + j
                    if j == 0:
                        @pl.when(q > 0)
                        def _():
                            scat_wait(3)
                        gat(b + 3, 3)
                    else:
                        scat_wait(j - 1)

                        @pl.when(b + 3 < KB)
                        def _(b=b, j=j):
                            gat(b + 3, j - 1)
                    gat_wait(j)
                    scat(b, j)
                return 0
            lax.fori_loop(0, KB // 4, quad, 0)
            scat_wait(3)
            return 0
        lax.fori_loop(0, CPT // KB, block, 0)
        plsc.subcore_barrier()

        pltpu.sync_copy(acc.at[pl.ds(sid * RPS, RPS)],
                        out_hbm.at[cid, pl.ds(sid * RPS, RPS)])

    return k(g, srcp, dstp)


def _dis_of(d0, d1):
    x = d0 + d1 + 1.0
    y = lax.rsqrt(x)
    return y * (1.5 - 0.5 * x * y * y)


def _tc_prep(x_pad, W1, degp):

    def body(x_ref, w_ref, deg_ref, g_ref):
        dis = _dis_of(deg_ref[0], deg_ref[1])[:, None]
        g_ref[...] = jnp.dot(x_ref[...], w_ref[...],
                             preferred_element_type=jnp.float32, precision=lax.Precision.HIGHEST) * dis

    return pl.pallas_call(
        body,
        grid=(NP // BT,),
        in_specs=[
            pl.BlockSpec((BT, 47), lambda i: (i, 0)),
            pl.BlockSpec((47, 16), lambda i: (0, 0)),
            pl.BlockSpec((2, BT), lambda i: (0, i)),
        ],
        out_specs=pl.BlockSpec((BT, 16), lambda i: (i, 0)),
        out_shape=jax.ShapeDtypeStruct((NP, 16), jnp.float32),
    )(x_pad, W1, degp)


def _tc_mid(s1p, g1, degp, b1, W2):

    def body(s_ref, g_ref, deg_ref, b_ref, w_ref, out_ref):
        dis = _dis_of(deg_ref[0], deg_ref[1])[:, None]
        s = s_ref[0] + s_ref[1] + g_ref[...]
        h = jnp.maximum(dis * s + b_ref[...], 0.0)
        out_ref[...] = jnp.dot(h, w_ref[...],
                               preferred_element_type=jnp.float32, precision=lax.Precision.HIGHEST) * dis

    return pl.pallas_call(
        body,
        grid=(NP // BT,),
        in_specs=[
            pl.BlockSpec((2, BT, 16), lambda i: (0, i, 0)),
            pl.BlockSpec((BT, 16), lambda i: (i, 0)),
            pl.BlockSpec((2, BT), lambda i: (0, i)),
            pl.BlockSpec((1, 16), lambda i: (0, 0)),
            pl.BlockSpec((16, 32), lambda i: (0, 0)),
        ],
        out_specs=pl.BlockSpec((BT, 32), lambda i: (i, 0)),
        out_shape=jax.ShapeDtypeStruct((NP, 32), jnp.float32),
    )(s1p, g1, degp, b1.reshape(1, 16), W2)


def _tc_final(s2p, g2, degp, b2, batch_col,
              Wr1, br1, Wr2, br2, Wr3, br3, Wr4, br4):
    nb = NP // BT

    def body(s_ref, g_ref, deg_ref, b_ref, bat_ref,
             w1, c1, w2, c2, w3, c3, w4, c4, out_ref, acc, cnt):
        i = pl.program_id(0)
        dis = _dis_of(deg_ref[0], deg_ref[1])[:, None]
        s = s_ref[0] + s_ref[1] + g_ref[...]
        h = jnp.maximum(dis * s + b_ref[...], 0.0)
        ids = lax.broadcasted_iota(jnp.int32, (1, NG), 1)
        a = (bat_ref[...] == ids).astype(jnp.float32)
        dn = (((0,), (0,)), ((), ()))
        contrib = lax.dot_general(a, h, dn,
                                  preferred_element_type=jnp.float32, precision=lax.Precision.HIGHEST)
        ccontrib = lax.dot_general(a, jnp.ones((BT, 1), jnp.float32), dn,
                                   preferred_element_type=jnp.float32, precision=lax.Precision.HIGHEST)

        @pl.when(i == 0)
        def _():
            acc[...] = contrib
            cnt[...] = ccontrib

        @pl.when(i > 0)
        def _():
            acc[...] += contrib
            cnt[...] += ccontrib

        @pl.when(i == nb - 1)
        def _():
            pooled = acc[...] / jnp.maximum(cnt[...], 1.0)
            r = jnp.maximum(jnp.dot(pooled, w1[...],
                                    preferred_element_type=jnp.float32, precision=lax.Precision.HIGHEST) + c1[...], 0.0)
            r = jnp.maximum(jnp.dot(r, w2[...],
                                    preferred_element_type=jnp.float32, precision=lax.Precision.HIGHEST) + c2[...], 0.0)
            r = jnp.maximum(jnp.dot(r, w3[...],
                                    preferred_element_type=jnp.float32, precision=lax.Precision.HIGHEST) + c3[...], 0.0)
            out_ref[...] = jnp.dot(r, w4[...],
                                   preferred_element_type=jnp.float32, precision=lax.Precision.HIGHEST) + c4[...]

    return pl.pallas_call(
        body,
        grid=(nb,),
        in_specs=[
            pl.BlockSpec((2, BT, 32), lambda i: (0, i, 0)),
            pl.BlockSpec((BT, 32), lambda i: (i, 0)),
            pl.BlockSpec((2, BT), lambda i: (0, i)),
            pl.BlockSpec((1, 32), lambda i: (0, 0)),
            pl.BlockSpec((BT, 1), lambda i: (i, 0)),
            pl.BlockSpec((32, 32), lambda i: (0, 0)),
            pl.BlockSpec((1, 32), lambda i: (0, 0)),
            pl.BlockSpec((32, 16), lambda i: (0, 0)),
            pl.BlockSpec((1, 16), lambda i: (0, 0)),
            pl.BlockSpec((16, 8), lambda i: (0, 0)),
            pl.BlockSpec((1, 8), lambda i: (0, 0)),
            pl.BlockSpec((8, 1), lambda i: (0, 0)),
            pl.BlockSpec((1, 1), lambda i: (0, 0)),
        ],
        out_specs=pl.BlockSpec((NG, 1), lambda i: (0, 0)),
        out_shape=jax.ShapeDtypeStruct((NG, 1), jnp.float32),
        scratch_shapes=[
            pltpu.VMEM((NG, 32), jnp.float32),
            pltpu.VMEM((NG, 1), jnp.float32),
        ],
    )(s2p, g2, degp, b2.reshape(1, 32), batch_col,
      Wr1, br1.reshape(1, 32), Wr2, br2.reshape(1, 16),
      Wr3, br3.reshape(1, 8), Wr4, br4.reshape(1, 1))


def kernel(x, edge_index, batch, W1, b1, W2, b2,
           Wr1, br1, Wr2, br2, Wr3, br3, Wr4, br4):
    src = edge_index[0].astype(jnp.int32)
    dst = edge_index[1].astype(jnp.int32)
    batch_col = jnp.concatenate(
        [batch.astype(jnp.int32),
         jnp.full((NP - N,), NG, jnp.int32)]).reshape(NP, 1)
    x_pad = jnp.pad(x, ((0, NP - N), (0, 0)))

    npad = EPAD - E
    src_p = jnp.concatenate(
        [src, jnp.zeros((npad,), jnp.int32)]).reshape(NW, CPT, C)
    dst_p = jnp.concatenate(
        [dst, N + (jnp.arange(npad, dtype=jnp.int32) % (NP - N))]
    ).reshape(NW, CPT, C)

    degp = _sc_degree(dst_p)
    g1 = _tc_prep(x_pad, W1, degp)
    s1p = _sc_scatter(g1, src_p, dst_p, 16)
    g2 = _tc_mid(s1p, g1, degp, b1, W2)
    s2p = _sc_scatter(g2, src_p, dst_p, 32)
    return _tc_final(s2p, g2, degp, b2, batch_col,
                     Wr1, br1, Wr2, br2, Wr3, br3, Wr4, br4)

# --- scband reference (transcript-rebuilt; emitter-appended) ---
"""Pipeline reference for scband-gcn-60189671686911 (READ-ONLY COPY).

The authoritative reference and input builder live on the scoring server;
editing this copy changes nothing except your own understanding.
"""

import jax, jax.numpy as jnp
import numpy as np

N_NODES = 50000
N_EDGES = 1600000
N_GRAPHS = 512


def _glorot(key, shape):
    fan_in, fan_out = shape[0], shape[1]
    limit = np.sqrt(6.0 / (fan_in + fan_out))
    return jax.random.uniform(key, shape, jnp.float32, -limit, limit)


def setup_inputs(seed: int = 0) -> dict:
    key = jax.random.key(seed)
    ks = jax.random.split(key, 16)
    x = jax.random.normal(ks[0], (N_NODES, 47), dtype=jnp.float32)
    edge_index = jax.random.randint(ks[1], (2, N_EDGES), 0, N_NODES, dtype=jnp.int64)
    batch = jnp.sort(jax.random.randint(ks[2], (N_NODES,), 0, N_GRAPHS, dtype=jnp.int64))
    # GCNConv weights (PyG convention: out = norm_aggr(x @ W) + b)
    W1 = _glorot(ks[3], (47, 16)); b1 = jnp.zeros((16,), jnp.float32)
    W2 = _glorot(ks[4], (16, 32)); b2 = jnp.zeros((32,), jnp.float32)
    # Regressor: Linear(32,32) -> Linear(32,16) -> Linear(16,8) -> Linear(8,1)
    Wr1 = _glorot(ks[5], (32, 32)); br1 = jnp.zeros((32,), jnp.float32)
    Wr2 = _glorot(ks[6], (32, 16)); br2 = jnp.zeros((16,), jnp.float32)
    Wr3 = _glorot(ks[7], (16, 8));  br3 = jnp.zeros((8,), jnp.float32)
    Wr4 = _glorot(ks[8], (8, 1));   br4 = jnp.zeros((1,), jnp.float32)
    return {"x": x, "edge_index": edge_index, "batch": batch,
            "W1": W1, "b1": b1, "W2": W2, "b2": b2,
            "Wr1": Wr1, "br1": br1, "Wr2": Wr2, "br2": br2,
            "Wr3": Wr3, "br3": br3, "Wr4": Wr4, "br4": br4}


def _gcn_conv(x, src, dst, norm, W, b, n_nodes):
    h = x @ W
    msgs = h[src] * norm[:, None]
    out = jax.ops.segment_sum(msgs, dst, num_segments=n_nodes)
    return out + b


def reference(x, edge_index, batch, W1, b1, W2, b2,
              Wr1, br1, Wr2, br2, Wr3, br3, Wr4, br4):
    n = x.shape[0]
    # add self-loops (PyG GCNConv default)
    loop = jnp.arange(n, dtype=edge_index.dtype)
    src = jnp.concatenate([edge_index[0], loop])
    dst = jnp.concatenate([edge_index[1], loop])
    # symmetric normalization deg^{-1/2}[src] * deg^{-1/2}[dst]
    deg = jax.ops.segment_sum(jnp.ones_like(dst, dtype=jnp.float32), dst, num_segments=n)
    dis = jnp.where(deg > 0, deg ** -0.5, 0.0)
    norm = dis[src] * dis[dst]
    # conv1 + relu
    h = _gcn_conv(x, src, dst, norm, W1, b1, n)
    h = jax.nn.relu(h)
    # conv2 + relu
    h = _gcn_conv(h, src, dst, norm, W2, b2, n)
    h = jax.nn.relu(h)
    # dropout is identity in eval mode
    # global_mean_pool over batch ids
    sums = jax.ops.segment_sum(h, batch, num_segments=N_GRAPHS)
    counts = jax.ops.segment_sum(jnp.ones((n,), jnp.float32), batch, num_segments=N_GRAPHS)
    pooled = sums / jnp.maximum(counts, 1.0)[:, None]
    # regressor MLP
    r = jax.nn.relu(pooled @ Wr1 + br1)
    r = jax.nn.relu(r @ Wr2 + br2)
    r = jax.nn.relu(r @ Wr3 + br3)
    r = r @ Wr4 + br4
    return r

if __name__ == "__main__":
    import jax
    _d = setup_inputs()
    print(jax.jit(kernel)(*tuple(_d.values())))

</pallas_src>

<mosaic_0001>
#map = affine_map<(d0, d1) -> (0, 0)>
#map1 = affine_map<(d0, d1) -> (0, 0, 0)>
module attributes {stable_mosaic.version = 14 : i64} {
  func.func @k(%arg0: i32, %arg1: i32, %arg2: memref<51200x16xf32, #tpu.memory_space<hbm>>, %arg3: memref<32x392x128xi32, #tpu.memory_space<hbm>>, %arg4: memref<32x392x128xi32, #tpu.memory_space<hbm>>, %arg5: memref<2x51200x16xf32, #tpu.memory_space<hbm>>, %arg6: memref<51200x16xf32, #tpu.memory_space<vmem_shared>>, %arg7: memref<28x128xi32, #tpu.memory_space<vmem>>, %arg8: memref<28x128xi32, #tpu.memory_space<vmem>>, %arg9: memref<128x16xf32, #tpu.memory_space<vmem>>, %arg10: memref<128x16xf32, #tpu.memory_space<vmem>>, %arg11: memref<128x16xf32, #tpu.memory_space<vmem>>, %arg12: memref<128x16xf32, #tpu.memory_space<vmem>>, %arg13: memref<!tpu.dma_semaphore, #tpu.memory_space<semaphore_mem>>, %arg14: memref<!tpu.dma_semaphore, #tpu.memory_space<semaphore_mem>>, %arg15: memref<!tpu.dma_semaphore, #tpu.memory_space<semaphore_mem>>, %arg16: memref<!tpu.dma_semaphore, #tpu.memory_space<semaphore_mem>>, %arg17: memref<!tpu.dma_semaphore, #tpu.memory_space<semaphore_mem>>, %arg18: memref<!tpu.dma_semaphore, #tpu.memory_space<semaphore_mem>>, %arg19: memref<!tpu.dma_semaphore, #tpu.memory_space<semaphore_mem>>, %arg20: memref<!tpu.dma_semaphore, #tpu.memory_space<semaphore_mem>>) attributes {dimension_semantics = [#tpu.dimension_semantics<core_parallel>, #tpu.dimension_semantics<subcore_parallel>], iteration_bounds = array<i64: 2, 16>, scalar_prefetch = 0 : i64, scratch_operands = 15 : i64, tpu.core_type = #tpu.core_type<sc_vector_subcore>, window_params = [{transform_indices = #map}, {transform_indices = #map1}, {transform_indices = #map1}, {transform_indices = #map1}]} {
    %mul3A = arith.constant 16 : i32
    %mul3A_0 = arith.muli %arg0, %mul3A : i32
    %add3A = arith.addi %mul3A_0, %arg1 : i32
    %scan3A = arith.constant 0 : i32
    %scan3A_1 = arith.constant 0 : i32
    %scan3A_2 = arith.constant 128 : i32
    %scan3A_3 = arith.addi %scan3A_1, %scan3A_2 : i32
    %scan3A_4 = arith.constant 1 : i32
    %scan3A_5 = scf.for %scan3A_26 = %scan3A_1 to %scan3A_3 step %scan3A_4 iter_args(%scan3A_27 = %scan3A) -> (i32)  : i32 {
      %broadcast_in_dim3A = arith.constant 0.000000e+00 : f32
      %broadcast_in_dim3A_28 = vector.broadcast %broadcast_in_dim3A : f32 to vector<16xf32>
      %jit3A = arith.constant 1 : i32
      %div3A = arith.divsi %scan3A_26, %jit3A : i32
      %sign3A = arith.constant 0 : i32
      %sign3A_29 = arith.cmpi sgt, %scan3A_26, %sign3A : i32
      %sign3A_30 = arith.extui %sign3A_29 : i1 to i32
      %sign3A_31 = arith.constant 0 : i32
      %sign3A_32 = arith.cmpi slt, %scan3A_26, %sign3A_31 : i32
      %sign3A_33 = arith.extui %sign3A_32 : i1 to i32
      %sign3A_34 = arith.subi %sign3A_30, %sign3A_33 : i32
      %sign3A_35 = arith.constant 0 : i32
      %sign3A_36 = arith.cmpi sgt, %jit3A, %sign3A_35 : i32
      %sign3A_37 = arith.extui %sign3A_36 : i1 to i32
      %sign3A_38 = arith.constant 0 : i32
      %sign3A_39 = arith.cmpi slt, %jit3A, %sign3A_38 : i32
      %sign3A_40 = arith.extui %sign3A_39 : i1 to i32
      %sign3A_41 = arith.subi %sign3A_37, %sign3A_40 : i32
      %ne3A = arith.cmpi ne, %sign3A_34, %sign3A_41 : i32
      %rem3A = arith.remsi %scan3A_26, %jit3A : i32
      %ne3A_42 = arith.constant 0 : i32
      %ne3A_43 = arith.cmpi ne, %rem3A, %ne3A_42 : i32
      %and3A = arith.andi %ne3A, %ne3A_43 : i1
      %sub3A = arith.constant 1 : i32
      %sub3A_44 = arith.subi %div3A, %sub3A : i32
      %select_n3A = arith.select %and3A, %sub3A_44, %div3A : i32
      %jit3A_45 = arith.constant 1 : i32
      %eq3A = arith.constant 0 : i32
      %eq3A_46 = arith.cmpi eq, %jit3A_45, %eq3A : i32
      %jit3A_47 = arith.constant 1 : i32
      %select_n3A_48 = arith.select %eq3A_46, %jit3A_47, %jit3A_45 : i32
      %rem3A_49 = arith.remsi %scan3A_26, %select_n3A_48 : i32
      %ne3A_50 = arith.constant 0 : i32
      %ne3A_51 = arith.cmpi ne, %rem3A_49, %ne3A_50 : i32
      %lt3A = arith.constant 0 : i32
      %lt3A_52 = arith.cmpi slt, %rem3A_49, %lt3A : i32
      %lt3A_53 = arith.constant 0 : i32
      %lt3A_54 = arith.cmpi slt, %select_n3A_48, %lt3A_53 : i32
      %ne3A_55 = arith.xori %lt3A_52, %lt3A_54 : i1
      %and3A_56 = arith.andi %ne3A_55, %ne3A_51 : i1
      %add3A_57 = arith.addi %rem3A_49, %select_n3A_48 : i32
      %select_n3A_58 = arith.select %and3A_56, %add3A_57, %rem3A_49 : i32
      %mul3A_59 = arith.constant 16 : i32
      %mul3A_60 = arith.muli %select_n3A_58, %mul3A_59 : i32
      %swap3A = arith.index_cast %select_n3A : i32 to index
      %swap3A_61 = arith.index_cast %mul3A_60 : i32 to index
      %swap3A_62 = tpu.vector_load %arg9[%swap3A, %swap3A_61] {strides = array<i32>} : memref<128x16xf32, #tpu.memory_space<vmem>>, vector<1x16xf32>,
      %swap3A_63 = vector.shape_cast %swap3A_62 : vector<1x16xf32> to vector<16xf32>
      %swap3A_64 = vector.shape_cast %broadcast_in_dim3A_28 : vector<16xf32> to vector<1x16xf32>
      tpu.vector_store %arg9[%swap3A, %swap3A_61], %swap3A_64 {strides = array<i32>} : memref<128x16xf32, #tpu.memory_space<vmem>>, vector<1x16xf32>,
      %scan3A_65 = arith.constant 0 : i32
      scf.yield %scan3A_65 : i32
    }
    %scan3A_6 = arith.constant 128 : i32
    %scan3A_7 = arith.constant 0 : i32
    %scan3A_8 = arith.constant 0 : i32
    %scan3A_9 = arith.constant 25 : i32
    %scan3A_10 = arith.addi %scan3A_8, %scan3A_9 : i32
    %scan3A_11 = arith.constant 1 : i32
    %scan3A_12 = scf.for %scan3A_26 = %scan3A_8 to %scan3A_10 step %scan3A_11 iter_args(%scan3A_27 = %scan3A_7) -> (i32)  : i32 {
      %mul3A_28 = arith.constant 3200 : i32
      %mul3A_29 = arith.muli %arg1, %mul3A_28 : i32
      %mul3A_30 = arith.constant 128 : i32
      %mul3A_31 = arith.muli %scan3A_26, %mul3A_30 : i32
      %add3A_32 = arith.addi %mul3A_29, %mul3A_31 : i32
      "tpu.region"() ({
        %run_scoped3A = tpu.sem_alloc : memref<!tpu.dma_semaphore, #tpu.memory_space<semaphore_mem>>
        %dma_start3A = arith.constant 0 : i32
        %dma_start3A_34 = tpu.memref_slice %arg6[%add3A_32, %dma_start3A] : memref<51200x16xf32, #tpu.memory_space<vmem_shared>> -> memref<128x16xf32, #tpu.memory_space<vmem_shared>>
        %dma_start3A_35 = arith.constant 0 : i32
        %dma_start3A_36 = tpu.memref_slice %arg6[%add3A_32, %dma_start3A_35] : memref<51200x16xf32, #tpu.memory_space<vmem_shared>> -> memref<128x16xf32, #tpu.memory_space<vmem_shared>>
        tpu.enqueue_dma source(%arg9 : memref<128x16xf32, #tpu.memory_space<vmem>>) target(%dma_start3A_36 : memref<128x16xf32, #tpu.memory_space<vmem_shared>>) target_semaphore(%run_scoped3A : memref<!tpu.dma_semaphore, #tpu.memory_space<semaphore_mem>>)
        %dma_wait3A = arith.constant 0 : i32
        %dma_wait3A_37 = tpu.memref_slice %arg6[%add3A_32, %dma_wait3A] : memref<51200x16xf32, #tpu.memory_space<vmem_shared>> -> memref<128x16xf32, #tpu.memory_space<vmem_shared>>
        %dma_wait3A_38 = arith.constant 0 : i32
        %dma_wait3A_39 = tpu.memref_slice %arg6[%add3A_32, %dma_wait3A_38] : memref<51200x16xf32, #tpu.memory_space<vmem_shared>> -> memref<128x16xf32, #tpu.memory_space<vmem_shared>>
        tpu.wait_dma2 semaphore(%run_scoped3A : memref<!tpu.dma_semaphore, #tpu.memory_space<semaphore_mem>>) src(%arg9 : memref<128x16xf32, #tpu.memory_space<vmem>>) dst(%dma_wait3A_39 : memref<128x16xf32, #tpu.memory_space<vmem_shared>>)
        tpu.yield
      }) : () -> ()
      %scan3A_33 = arith.constant 0 : i32
      scf.yield %scan3A_33 : i32
    }
    %scan3A_13 = arith.constant 25 : i32
    %barrier3A = arith.constant 0 : index
    tpu.barrier barrier_id(%barrier3A)
    %scan3A_14 = arith.constant 0 : i32
    %scan3A_15 = arith.constant 0 : i32
    %scan3A_16 = arith.constant 14 : i32
    %scan3A_17 = arith.addi %scan3A_15, %scan3A_16 : i32
    %scan3A_18 = arith.constant 1 : i32
    %scan3A_19 = scf.for %scan3A_26 = %scan3A_15 to %scan3A_17 step %scan3A_18 iter_args(%scan3A_27 = %scan3A_14) -> (i32)  : i32 {
      %mul3A_28 = arith.constant 28 : i32
      %mul3A_29 = arith.muli %scan3A_26, %mul3A_28 : i32
      "tpu.region"() ({
        %run_scoped3A = tpu.sem_alloc : memref<!tpu.dma_semaphore, #tpu.memory_space<semaphore_mem>>
        %dma_start3A_66 = arith.constant 0 : i32
        %dma_start3A_67 = tpu.memref_slice %arg3[%add3A, %mul3A_29, %dma_start3A_66] : memref<32x392x128xi32, #tpu.memory_space<hbm>> -> memref<1x28x128xi32, #tpu.memory_space<hbm>>
        %dma_start3A_68 = tpu.memref_squeeze %dma_start3A_67 : memref<1x28x128xi32, #tpu.memory_space<hbm>> -> memref<28x128xi32, #tpu.memory_space<hbm>>
        %dma_start3A_69 = arith.constant 0 : i32
        %dma_start3A_70 = tpu.memref_slice %arg3[%add3A, %mul3A_29, %dma_start3A_69] : memref<32x392x128xi32, #tpu.memory_space<hbm>> -> memref<1x28x128xi32, #tpu.memory_space<hbm>>
        %dma_start3A_71 = tpu.memref_squeeze %dma_start3A_70 : memref<1x28x128xi32, #tpu.memory_space<hbm>> -> memref<28x128xi32, #tpu.memory_space<hbm>>
        tpu.enqueue_dma source(%dma_start3A_71 : memref<28x128xi32, #tpu.memory_space<hbm>>) target(%arg7 : memref<28x128xi32, #tpu.memory_space<vmem>>) target_semaphore(%run_scoped3A : memref<!tpu.dma_semaphore, #tpu.memory_space<semaphore_mem>>)
        %dma_wait3A_72 = arith.constant 0 : i32
        %dma_wait3A_73 = tpu.memref_slice %arg3[%add3A, %mul3A_29, %dma_wait3A_72] : memref<32x392x128xi32, #tpu.memory_space<hbm>> -> memref<1x28x128xi32, #tpu.memory_space<hbm>>
        %dma_wait3A_74 = tpu.memref_squeeze %dma_wait3A_73 : memref<1x28x128xi32, #tpu.memory_space<hbm>> -> memref<28x128xi32, #tpu.memory_space<hbm>>
        %dma_wait3A_75 = arith.constant 0 : i32
        %dma_wait3A_76 = tpu.memref_slice %arg3[%add3A, %mul3A_29, %dma_wait3A_75] : memref<32x392x128xi32, #tpu.memory_space<hbm>> -> memref<1x28x128xi32, #tpu.memory_space<hbm>>
        %dma_wait3A_77 = tpu.memref_squeeze %dma_wait3A_76 : memref<1x28x128xi32, #tpu.memory_space<hbm>> -> memref<28x128xi32, #tpu.memory_space<hbm>>
        tpu.wait_dma2 semaphore(%run_scoped3A : memref<!tpu.dma_semaphore, #tpu.memory_space<semaphore_mem>>) src(%dma_wait3A_77 : memref<28x128xi32, #tpu.memory_space<hbm>>) dst(%arg7 : memref<28x128xi32, #tpu.memory_space<vmem>>)
        tpu.yield
      }) : () -> ()
      %mul3A_30 = arith.constant 28 : i32
      %mul3A_31 = arith.muli %scan3A_26, %mul3A_30 : i32
      "tpu.region"() ({
        %run_scoped3A = tpu.sem_alloc : memref<!tpu.dma_semaphore, #tpu.memory_space<semaphore_mem>>
        %dma_start3A_66 = arith.constant 0 : i32
        %dma_start3A_67 = tpu.memref_slice %arg4[%add3A, %mul3A_31, %dma_start3A_66] : memref<32x392x128xi32, #tpu.memory_space<hbm>> -> memref<1x28x128xi32, #tpu.memory_space<hbm>>
        %dma_start3A_68 = tpu.memref_squeeze %dma_start3A_67 : memref<1x28x128xi32, #tpu.memory_space<hbm>> -> memref<28x128xi32, #tpu.memory_space<hbm>>
        %dma_start3A_69 = arith.constant 0 : i32
        %dma_start3A_70 = tpu.memref_slice %arg4[%add3A, %mul3A_31, %dma_start3A_69] : memref<32x392x128xi32, #tpu.memory_space<hbm>> -> memref<1x28x128xi32, #tpu.memory_space<hbm>>
        %dma_start3A_71 = tpu.memref_squeeze %dma_start3A_70 : memref<1x28x128xi32, #tpu.memory_space<hbm>> -> memref<28x128xi32, #tpu.memory_space<hbm>>
        tpu.enqueue_dma source(%dma_start3A_71 : memref<28x128xi32, #tpu.memory_space<hbm>>) target(%arg8 : memref<28x128xi32, #tpu.memory_space<vmem>>) target_semaphore(%run_scoped3A : memref<!tpu.dma_semaphore, #tpu.memory_space<semaphore_mem>>)
        %dma_wait3A_72 = arith.constant 0 : i32
        %dma_wait3A_73 = tpu.memref_slice %arg4[%add3A, %mul3A_31, %dma_wait3A_72] : memref<32x392x128xi32, #tpu.memory_space<hbm>> -> memref<1x28x128xi32, #tpu.memory_space<hbm>>
        %dma_wait3A_74 = tpu.memref_squeeze %dma_wait3A_73 : memref<1x28x128xi32, #tpu.memory_space<hbm>> -> memref<28x128xi32, #tpu.memory_space<hbm>>
        %dma_wait3A_75 = arith.constant 0 : i32
        %dma_wait3A_76 = tpu.memref_slice %arg4[%add3A, %mul3A_31, %dma_wait3A_75] : memref<32x392x128xi32, #tpu.memory_space<hbm>> -> memref<1x28x128xi32, #tpu.memory_space<hbm>>
        %dma_wait3A_77 = tpu.memref_squeeze %dma_wait3A_76 : memref<1x28x128xi32, #tpu.memory_space<hbm>> -> memref<28x128xi32, #tpu.memory_space<hbm>>
        tpu.wait_dma2 semaphore(%run_scoped3A : memref<!tpu.dma_semaphore, #tpu.memory_space<semaphore_mem>>) src(%dma_wait3A_77 : memref<28x128xi32, #tpu.memory_space<hbm>>) dst(%arg8 : memref<28x128xi32, #tpu.memory_space<vmem>>)
        tpu.yield
      }) : () -> ()
      %dma_start3A = arith.constant 0 : i32
      %dma_start3A_32 = arith.constant 0 : i32
      %dma_start3A_33 = tpu.memref_slice %arg7[%dma_start3A, %dma_start3A_32] : memref<28x128xi32, #tpu.memory_space<vmem>> -> memref<1x128xi32, #tpu.memory_space<vmem>>
      %dma_start3A_34 = tpu.memref_squeeze %dma_start3A_33 : memref<1x128xi32, #tpu.memory_space<vmem>> -> memref<128xi32, #tpu.memory_space<vmem>>
      %dma_start3A_35 = arith.constant 0 : i32
      %dma_start3A_36 = arith.constant 0 : i32
      %dma_start3A_37 = tpu.memref_slice %arg2[%dma_start3A_35, %dma_start3A_36] : memref<51200x16xf32, #tpu.memory_space<hbm>> -> memref<51200x16xf32, #tpu.memory_space<hbm>>
      tpu.enqueue_indirect_dma source(%dma_start3A_37 : memref<51200x16xf32, #tpu.memory_space<hbm>>) target(%arg9 : memref<128x16xf32, #tpu.memory_space<vmem>>) offsets(%dma_start3A_34 : memref<128xi32, #tpu.memory_space<vmem>>) semaphore(%arg13 : memref<!tpu.dma_semaphore, #tpu.memory_space<semaphore_mem>>)
      %dma_start3A_38 = arith.constant 1 : i32
      %dma_start3A_39 = arith.constant 0 : i32
      %dma_start3A_40 = tpu.memref_slice %arg7[%dma_start3A_38, %dma_start3A_39] : memref<28x128xi32, #tpu.memory_space<vmem>> -> memref<1x128xi32, #tpu.memory_space<vmem>>
      %dma_start3A_41 = tpu.memref_squeeze %dma_start3A_40 : memref<1x128xi32, #tpu.memory_space<vmem>> -> memref<128xi32, #tpu.memory_space<vmem>>
      %dma_start3A_42 = arith.constant 0 : i32
      %dma_start3A_43 = arith.constant 0 : i32
      %dma_start3A_44 = tpu.memref_slice %arg2[%dma_start3A_42, %dma_start3A_43] : memref<51200x16xf32, #tpu.memory_space<hbm>> -> memref<51200x16xf32, #tpu.memory_space<hbm>>
      tpu.enqueue_indirect_dma source(%dma_start3A_44 : memref<51200x16xf32, #tpu.memory_space<hbm>>) target(%arg10 : memref<128x16xf32, #tpu.memory_space<vmem>>) offsets(%dma_start3A_41 : memref<128xi32, #tpu.memory_space<vmem>>) semaphore(%arg14 : memref<!tpu.dma_semaphore, #tpu.memory_space<semaphore_mem>>)
      %dma_start3A_45 = arith.constant 2 : i32
      %dma_start3A_46 = arith.constant 0 : i32
      %dma_start3A_47 = tpu.memref_slice %arg7[%dma_start3A_45, %dma_start3A_46] : memref<28x128xi32, #tpu.memory_space<vmem>> -> memref<1x128xi32, #tpu.memory_space<vmem>>
      %dma_start3A_48 = tpu.memref_squeeze %dma_start3A_47 : memref<1x128xi32, #tpu.memory_space<vmem>> -> memref<128xi32, #tpu.memory_space<vmem>>
      %dma_start3A_49 = arith.constant 0 : i32
      %dma_start3A_50 = arith.constant 0 : i32
      %dma_start3A_51 = tpu.memref_slice %arg2[%dma_start3A_49, %dma_start3A_50] : memref<51200x16xf32, #tpu.memory_space<hbm>> -> memref<51200x16xf32, #tpu.memory_space<hbm>>
      tpu.enqueue_indirect_dma source(%dma_start3A_51 : memref<51200x16xf32, #tpu.memory_space<hbm>>) target(%arg11 : memref<128x16xf32, #tpu.memory_space<vmem>>) offsets(%dma_start3A_48 : memref<128xi32, #tpu.memory_space<vmem>>) semaphore(%arg15 : memref<!tpu.dma_semaphore, #tpu.memory_space<semaphore_mem>>)
      %scan3A_52 = arith.constant 0 : i32
      %scan3A_53 = arith.constant 0 : i32
      %scan3A_54 = arith.constant 7 : i32
      %scan3A_55 = arith.addi %scan3A_53, %scan3A_54 : i32
      %scan3A_56 = arith.constant 1 : i32
      %scan3A_57 = scf.for %scan3A_66 = %scan3A_53 to %scan3A_55 step %scan3A_56 iter_args(%scan3A_67 = %scan3A_52) -> (i32)  : i32 {
        %mul3A_68 = arith.constant 4 : i32
        %mul3A_69 = arith.muli %mul3A_68, %scan3A_66 : i32
        %add3A_70 = arith.constant 0 : i32
        %add3A_71 = arith.addi %mul3A_69, %add3A_70 : i32
        %gt3A = arith.constant 0 : i32
        %gt3A_72 = arith.cmpi sgt, %scan3A_66, %gt3A : i32
        %convert_element_type3A = arith.extui %gt3A_72 : i1 to i32
        %cond3A = arith.constant 0 : i32
        %cond3A_73 = arith.cmpi ne, %convert_element_type3A, %cond3A : i32
        scf.if %cond3A_73 {
          %dma_wait3A_184 = arith.constant 0 : i32
          %dma_wait3A_185 = arith.constant 0 : i32
          %dma_wait3A_186 = tpu.memref_slice %arg8[%dma_wait3A_184, %dma_wait3A_185] : memref<28x128xi32, #tpu.memory_space<vmem>> -> memref<1x128xi32, #tpu.memory_space<vmem>>
          %dma_wait3A_187 = tpu.memref_squeeze %dma_wait3A_186 : memref<1x128xi32, #tpu.memory_space<vmem>> -> memref<128xi32, #tpu.memory_space<vmem>>
          %dma_wait3A_188 = arith.constant 0 : i32
          %dma_wait3A_189 = arith.constant 0 : i32
          %dma_wait3A_190 = tpu.memref_slice %arg6[%dma_wait3A_188, %dma_wait3A_189] : memref<51200x16xf32, #tpu.memory_space<vmem_shared>> -> memref<51200x16xf32, #tpu.memory_space<vmem_shared>>
          tpu.wait_indirect_dma semaphore(%arg20 : memref<!tpu.dma_semaphore, #tpu.memory_space<semaphore_mem>>) src(%arg12 : memref<128x16xf32, #tpu.memory_space<vmem>>) dst(%dma_wait3A_190 : memref<51200x16xf32, #tpu.memory_space<vmem_shared>>)
        } else {
        }
        %add3A_74 = arith.constant 3 : i32
        %add3A_75 = arith.addi %add3A_71, %add3A_74 : i32
        %dma_start3A_76 = arith.constant 0 : i32
        %dma_start3A_77 = tpu.memref_slice %arg7[%add3A_75, %dma_start3A_76] : memref<28x128xi32, #tpu.memory_space<vmem>> -> memref<1x128xi32, #tpu.memory_space<vmem>>
        %dma_start3A_78 = tpu.memref_squeeze %dma_start3A_77 : memref<1x128xi32, #tpu.memory_space<vmem>> -> memref<128xi32, #tpu.memory_space<vmem>>
        %dma_start3A_79 = arith.constant 0 : i32
        %dma_start3A_80 = arith.constant 0 : i32
        %dma_start3A_81 = tpu.memref_slice %arg2[%dma_start3A_79, %dma_start3A_80] : memref<51200x16xf32, #tpu.memory_space<hbm>> -> memref<51200x16xf32, #tpu.memory_space<hbm>>
        tpu.enqueue_indirect_dma source(%dma_start3A_81 : memref<51200x16xf32, #tpu.memory_space<hbm>>) target(%arg12 : memref<128x16xf32, #tpu.memory_space<vmem>>) offsets(%dma_start3A_78 : memref<128xi32, #tpu.memory_space<vmem>>) semaphore(%arg16 : memref<!tpu.dma_semaphore, #tpu.memory_space<semaphore_mem>>)
        %dma_wait3A_82 = arith.constant 0 : i32
        %dma_wait3A_83 = arith.constant 0 : i32
        %dma_wait3A_84 = tpu.memref_slice %arg2[%dma_wait3A_82, %dma_wait3A_83] : memref<51200x16xf32, #tpu.memory_space<hbm>> -> memref<128x16xf32, #tpu.memory_space<hbm>>
        %dma_wait3A_85 = arith.constant 0 : i32
        %dma_wait3A_86 = arith.constant 0 : i32
        %dma_wait3A_87 = tpu.memref_slice %arg2[%dma_wait3A_85, %dma_wait3A_86] : memref<51200x16xf32, #tpu.memory_space<hbm>> -> memref<128x16xf32, #tpu.memory_space<hbm>>
        tpu.wait_dma2 semaphore(%arg13 : memref<!tpu.dma_semaphore, #tpu.memory_space<semaphore_mem>>) src(%dma_wait3A_87 : memref<128x16xf32, #tpu.memory_space<hbm>>) dst(%arg9 : memref<128x16xf32, #tpu.memory_space<vmem>>)
        %dma_start3A_88 = arith.constant 0 : i32
        %dma_start3A_89 = tpu.memref_slice %arg8[%add3A_71, %dma_start3A_88] : memref<28x128xi32, #tpu.memory_space<vmem>> -> memref<1x128xi32, #tpu.memory_space<vmem>>
        %dma_start3A_90 = tpu.memref_squeeze %dma_start3A_89 : memref<1x128xi32, #tpu.memory_space<vmem>> -> memref<128xi32, #tpu.memory_space<vmem>>
        %dma_start3A_91 = arith.constant 0 : i32
        %dma_start3A_92 = arith.constant 0 : i32
        %dma_start3A_93 = tpu.memref_slice %arg6[%dma_start3A_91, %dma_start3A_92] : memref<51200x16xf32, #tpu.memory_space<vmem_shared>> -> memref<51200x16xf32, #tpu.memory_space<vmem_shared>>
        tpu.enqueue_indirect_dma source(%arg9 : memref<128x16xf32, #tpu.memory_space<vmem>>) target(%dma_start3A_93 : memref<51200x16xf32, #tpu.memory_space<vmem_shared>>) offsets(%dma_start3A_90 : memref<128xi32, #tpu.memory_space<vmem>>) semaphore(%arg17 : memref<!tpu.dma_semaphore, #tpu.memory_space<semaphore_mem>>) {add = true}
        %mul3A_94 = arith.constant 4 : i32
        %mul3A_95 = arith.muli %mul3A_94, %scan3A_66 : i32
        %add3A_96 = arith.constant 1 : i32
        %add3A_97 = arith.addi %mul3A_95, %add3A_96 : i32
        %dma_wait3A_98 = arith.constant 0 : i32
        %dma_wait3A_99 = arith.constant 0 : i32
        %dma_wait3A_100 = tpu.memref_slice %arg8[%dma_wait3A_98, %dma_wait3A_99] : memref<28x128xi32, #tpu.memory_space<vmem>> -> memref<1x128xi32, #tpu.memory_space<vmem>>
        %dma_wait3A_101 = tpu.memref_squeeze %dma_wait3A_100 : memref<1x128xi32, #tpu.memory_space<vmem>> -> memref<128xi32, #tpu.memory_space<vmem>>
        %dma_wait3A_102 = arith.constant 0 : i32
        %dma_wait3A_103 = arith.constant 0 : i32
        %dma_wait3A_104 = tpu.memref_slice %arg6[%dma_wait3A_102, %dma_wait3A_103] : memref<51200x16xf32, #tpu.memory_space<vmem_shared>> -> memref<51200x16xf32, #tpu.memory_space<vmem_shared>>
        tpu.wait_indirect_dma semaphore(%arg17 : memref<!tpu.dma_semaphore, #tpu.memory_space<semaphore_mem>>) src(%arg9 : memref<128x16xf32, #tpu.memory_space<vmem>>) dst(%dma_wait3A_104 : memref<51200x16xf32, #tpu.memory_space<vmem_shared>>)
        %add3A_105 = arith.constant 3 : i32
        %add3A_106 = arith.addi %add3A_97, %add3A_105 : i32
        %lt3A = arith.constant 28 : i32
        %lt3A_107 = arith.cmpi slt, %add3A_106, %lt3A : i32
        %convert_element_type3A_108 = arith.extui %lt3A_107 : i1 to i32
        %cond3A_109 = arith.constant 0 : i32
        %cond3A_110 = arith.cmpi ne, %convert_element_type3A_108, %cond3A_109 : i32
        scf.if %cond3A_110 {
          %add3A_184 = arith.constant 3 : i32
          %add3A_185 = arith.addi %add3A_97, %add3A_184 : i32
          %dma_start3A_186 = arith.constant 0 : i32
          %dma_start3A_187 = tpu.memref_slice %arg7[%add3A_185, %dma_start3A_186] : memref<28x128xi32, #tpu.memory_space<vmem>> -> memref<1x128xi32, #tpu.memory_space<vmem>>
          %dma_start3A_188 = tpu.memref_squeeze %dma_start3A_187 : memref<1x128xi32, #tpu.memory_space<vmem>> -> memref<128xi32, #tpu.memory_space<vmem>>
          %dma_start3A_189 = arith.constant 0 : i32
          %dma_start3A_190 = arith.constant 0 : i32
          %dma_start3A_191 = tpu.memref_slice %arg2[%dma_start3A_189, %dma_start3A_190] : memref<51200x16xf32, #tpu.memory_space<hbm>> -> memref<51200x16xf32, #tpu.memory_space<hbm>>
          tpu.enqueue_indirect_dma source(%dma_start3A_191 : memref<51200x16xf32, #tpu.memory_space<hbm>>) target(%arg9 : memref<128x16xf32, #tpu.memory_space<vmem>>) offsets(%dma_start3A_188 : memref<128xi32, #tpu.memory_space<vmem>>) semaphore(%arg13 : memref<!tpu.dma_semaphore, #tpu.memory_space<semaphore_mem>>)
        } else {
        }
        %dma_wait3A_111 = arith.constant 0 : i32
        %dma_wait3A_112 = arith.constant 0 : i32
        %dma_wait3A_113 = tpu.memref_slice %arg2[%dma_wait3A_111, %dma_wait3A_112] : memref<51200x16xf32, #tpu.memory_space<hbm>> -> memref<128x16xf32, #tpu.memory_space<hbm>>
        %dma_wait3A_114 = arith.constant 0 : i32
        %dma_wait3A_115 = arith.constant 0 : i32
        %dma_wait3A_116 = tpu.memref_slice %arg2[%dma_wait3A_114, %dma_wait3A_115] : memref<51200x16xf32, #tpu.memory_space<hbm>> -> memref<128x16xf32, #tpu.memory_space<hbm>>
        tpu.wait_dma2 semaphore(%arg14 : memref<!tpu.dma_semaphore, #tpu.memory_space<semaphore_mem>>) src(%dma_wait3A_116 : memref<128x16xf32, #tpu.memory_space<hbm>>) dst(%arg10 : memref<128x16xf32, #tpu.memory_space<vmem>>)
        %dma_start3A_117 = arith.constant 0 : i32
        %dma_start3A_118 = tpu.memref_slice %arg8[%add3A_97, %dma_start3A_117] : memref<28x128xi32, #tpu.memory_space<vmem>> -> memref<1x128xi32, #tpu.memory_space<vmem>>
        %dma_start3A_119 = tpu.memref_squeeze %dma_start3A_118 : memref<1x128xi32, #tpu.memory_space<vmem>> -> memref<128xi32, #tpu.memory_space<vmem>>
        %dma_start3A_120 = arith.constant 0 : i32
        %dma_start3A_121 = arith.constant 0 : i32
        %dma_start3A_122 = tpu.memref_slice %arg6[%dma_start3A_120, %dma_start3A_121] : memref<51200x16xf32, #tpu.memory_space<vmem_shared>> -> memref<51200x16xf32, #tpu.memory_space<vmem_shared>>
        tpu.enqueue_indirect_dma source(%arg10 : memref<128x16xf32, #tpu.memory_space<vmem>>) target(%dma_start3A_122 : memref<51200x16xf32, #tpu.memory_space<vmem_shared>>) offsets(%dma_start3A_119 : memref<128xi32, #tpu.memory_space<vmem>>) semaphore(%arg18 : memref<!tpu.dma_semaphore, #tpu.memory_space<semaphore_mem>>) {add = true}
        %mul3A_123 = arith.constant 4 : i32
        %mul3A_124 = arith.muli %mul3A_123, %scan3A_66 : i32
        %add3A_125 = arith.constant 2 : i32
        %add3A_126 = arith.addi %mul3A_124, %add3A_125 : i32
        %dma_wait3A_127 = arith.constant 0 : i32
        %dma_wait3A_128 = arith.constant 0 : i32
        %dma_wait3A_129 = tpu.memref_slice %arg8[%dma_wait3A_127, %dma_wait3A_128] : memref<28x128xi32, #tpu.memory_space<vmem>> -> memref<1x128xi32, #tpu.memory_space<vmem>>
        %dma_wait3A_130 = tpu.memref_squeeze %dma_wait3A_129 : memref<1x128xi32, #tpu.memory_space<vmem>> -> memref<128xi32, #tpu.memory_space<vmem>>
        %dma_wait3A_131 = arith.constant 0 : i32
        %dma_wait3A_132 = arith.constant 0 : i32
        %dma_wait3A_133 = tpu.memref_slice %arg6[%dma_wait3A_131, %dma_wait3A_132] : memref<51200x16xf32, #tpu.memory_space<vmem_shared>> -> memref<51200x16xf32, #tpu.memory_space<vmem_shared>>
        tpu.wait_indirect_dma semaphore(%arg18 : memref<!tpu.dma_semaphore, #tpu.memory_space<semaphore_mem>>) src(%arg10 : memref<128x16xf32, #tpu.memory_space<vmem>>) dst(%dma_wait3A_133 : memref<51200x16xf32, #tpu.memory_space<vmem_shared>>)
        %add3A_134 = arith.constant 3 : i32
        %add3A_135 = arith.addi %add3A_126, %add3A_134 : i32
        %lt3A_136 = arith.constant 28 : i32
        %lt3A_137 = arith.cmpi slt, %add3A_135, %lt3A_136 : i32
        %convert_element_type3A_138 = arith.extui %lt3A_137 : i1 to i32
        %cond3A_139 = arith.constant 0 : i32
        %cond3A_140 = arith.cmpi ne, %convert_element_type3A_138, %cond3A_139 : i32
        scf.if %cond3A_140 {
          %add3A_184 = arith.constant 3 : i32
          %add3A_185 = arith.addi %add3A_126, %add3A_184 : i32
          %dma_start3A_186 = arith.constant 0 : i32
          %dma_start3A_187 = tpu.memref_slice %arg7[%add3A_185, %dma_start3A_186] : memref<28x128xi32, #tpu.memory_space<vmem>> -> memref<1x128xi32, #tpu.memory_space<vmem>>
          %dma_start3A_188 = tpu.memref_squeeze %dma_start3A_187 : memref<1x128xi32, #tpu.memory_space<vmem>> -> memref<128xi32, #tpu.memory_space<vmem>>
          %dma_start3A_189 = arith.constant 0 : i32
          %dma_start3A_190 = arith.constant 0 : i32
          %dma_start3A_191 = tpu.memref_slice %arg2[%dma_start3A_189, %dma_start3A_190] : memref<51200x16xf32, #tpu.memory_space<hbm>> -> memref<51200x16xf32, #tpu.memory_space<hbm>>
          tpu.enqueue_indirect_dma source(%dma_start3A_191 : memref<51200x16xf32, #tpu.memory_space<hbm>>) target(%arg10 : memref<128x16xf32, #tpu.memory_space<vmem>>) offsets(%dma_start3A_188 : memref<128xi32, #tpu.memory_space<vmem>>) semaphore(%arg14 : memref<!tpu.dma_semaphore, #tpu.memory_space<semaphore_mem>>)
        } else {
        }
        %dma_wait3A_141 = arith.constant 0 : i32
        %dma_wait3A_142 = arith.constant 0 : i32
        %dma_wait3A_143 = tpu.memref_slice %arg2[%dma_wait3A_141, %dma_wait3A_142] : memref<51200x16xf32, #tpu.memory_space<hbm>> -> memref<128x16xf32, #tpu.memory_space<hbm>>
        %dma_wait3A_144 = arith.constant 0 : i32
        %dma_wait3A_145 = arith.constant 0 : i32
        %dma_wait3A_146 = tpu.memref_slice %arg2[%dma_wait3A_144, %dma_wait3A_145] : memref<51200x16xf32, #tpu.memory_space<hbm>> -> memref<128x16xf32, #tpu.memory_space<hbm>>
        tpu.wait_dma2 semaphore(%arg15 : memref<!tpu.dma_semaphore, #tpu.memory_space<semaphore_mem>>) src(%dma_wait3A_146 : memref<128x16xf32, #tpu.memory_space<hbm>>) dst(%arg11 : memref<128x16xf32, #tpu.memory_space<vmem>>)
        %dma_start3A_147 = arith.constant 0 : i32
        %dma_start3A_148 = tpu.memref_slice %arg8[%add3A_126, %dma_start3A_147] : memref<28x128xi32, #tpu.memory_space<vmem>> -> memref<1x128xi32, #tpu.memory_space<vmem>>
        %dma_start3A_149 = tpu.memref_squeeze %dma_start3A_148 : memref<1x128xi32, #tpu.memory_space<vmem>> -> memref<128xi32, #tpu.memory_space<vmem>>
        %dma_start3A_150 = arith.constant 0 : i32
        %dma_start3A_151 = arith.constant 0 : i32
        %dma_start3A_152 = tpu.memref_slice %arg6[%dma_start3A_150, %dma_start3A_151] : memref<51200x16xf32, #tpu.memory_space<vmem_shared>> -> memref<51200x16xf32, #tpu.memory_space<vmem_shared>>
        tpu.enqueue_indirect_dma source(%arg11 : memref<128x16xf32, #tpu.memory_space<vmem>>) target(%dma_start3A_152 : memref<51200x16xf32, #tpu.memory_space<vmem_shared>>) offsets(%dma_start3A_149 : memref<128xi32, #tpu.memory_space<vmem>>) semaphore(%arg19 : memref<!tpu.dma_semaphore, #tpu.memory_space<semaphore_mem>>) {add = true}
        %mul3A_153 = arith.constant 4 : i32
        %mul3A_154 = arith.muli %mul3A_153, %scan3A_66 : i32
        %add3A_155 = arith.constant 3 : i32
        %add3A_156 = arith.addi %mul3A_154, %add3A_155 : i32
        %dma_wait3A_157 = arith.constant 0 : i32
        %dma_wait3A_158 = arith.constant 0 : i32
        %dma_wait3A_159 = tpu.memref_slice %arg8[%dma_wait3A_157, %dma_wait3A_158] : memref<28x128xi32, #tpu.memory_space<vmem>> -> memref<1x128xi32, #tpu.memory_space<vmem>>
        %dma_wait3A_160 = tpu.memref_squeeze %dma_wait3A_159 : memref<1x128xi32, #tpu.memory_space<vmem>> -> memref<128xi32, #tpu.memory_space<vmem>>
        %dma_wait3A_161 = arith.constant 0 : i32
        %dma_wait3A_162 = arith.constant 0 : i32
        %dma_wait3A_163 = tpu.memref_slice %arg6[%dma_wait3A_161, %dma_wait3A_162] : memref<51200x16xf32, #tpu.memory_space<vmem_shared>> -> memref<51200x16xf32, #tpu.memory_space<vmem_shared>>
        tpu.wait_indirect_dma semaphore(%arg19 : memref<!tpu.dma_semaphore, #tpu.memory_space<semaphore_mem>>) src(%arg11 : memref<128x16xf32, #tpu.memory_space<vmem>>) dst(%dma_wait3A_163 : memref<51200x16xf32, #tpu.memory_space<vmem_shared>>)
        %add3A_164 = arith.constant 3 : i32
        %add3A_165 = arith.addi %add3A_156, %add3A_164 : i32
        %lt3A_166 = arith.constant 28 : i32
        %lt3A_167 = arith.cmpi slt, %add3A_165, %lt3A_166 : i32
        %convert_element_type3A_168 = arith.extui %lt3A_167 : i1 to i32
        %cond3A_169 = arith.constant 0 : i32
        %cond3A_170 = arith.cmpi ne, %convert_element_type3A_168, %cond3A_169 : i32
        scf.if %cond3A_170 {
          %add3A_184 = arith.constant 3 : i32
          %add3A_185 = arith.addi %add3A_156, %add3A_184 : i32
          %dma_start3A_186 = arith.constant 0 : i32
          %dma_start3A_187 = tpu.memref_slice %arg7[%add3A_185, %dma_start3A_186] : memref<28x128xi32, #tpu.memory_space<vmem>> -> memref<1x128xi32, #tpu.memory_space<vmem>>
          %dma_start3A_188 = tpu.memref_squeeze %dma_start3A_187 : memref<1x128xi32, #tpu.memory_space<vmem>> -> memref<128xi32, #tpu.memory_space<vmem>>
          %dma_start3A_189 = arith.constant 0 : i32
          %dma_start3A_190 = arith.constant 0 : i32
          %dma_start3A_191 = tpu.memref_slice %arg2[%dma_start3A_189, %dma_start3A_190] : memref<51200x16xf32, #tpu.memory_space<hbm>> -> memref<51200x16xf32, #tpu.memory_space<hbm>>
          tpu.enqueue_indirect_dma source(%dma_start3A_191 : memref<51200x16xf32, #tpu.memory_space<hbm>>) target(%arg11 : memref<128x16xf32, #tpu.memory_space<vmem>>) offsets(%dma_start3A_188 : memref<128xi32, #tpu.memory_space<vmem>>) semaphore(%arg15 : memref<!tpu.dma_semaphore, #tpu.memory_space<semaphore_mem>>)
        } else {
        }
        %dma_wait3A_171 = arith.constant 0 : i32
        %dma_wait3A_172 = arith.constant 0 : i32
        %dma_wait3A_173 = tpu.memref_slice %arg2[%dma_wait3A_171, %dma_wait3A_172] : memref<51200x16xf32, #tpu.memory_space<hbm>> -> memref<128x16xf32, #tpu.memory_space<hbm>>
        %dma_wait3A_174 = arith.constant 0 : i32
        %dma_wait3A_175 = arith.constant 0 : i32
        %dma_wait3A_176 = tpu.memref_slice %arg2[%dma_wait3A_174, %dma_wait3A_175] : memref<51200x16xf32, #tpu.memory_space<hbm>> -> memref<128x16xf32, #tpu.memory_space<hbm>>
        tpu.wait_dma2 semaphore(%arg16 : memref<!tpu.dma_semaphore, #tpu.memory_space<semaphore_mem>>) src(%dma_wait3A_176 : memref<128x16xf32, #tpu.memory_space<hbm>>) dst(%arg12 : memref<128x16xf32, #tpu.memory_space<vmem>>)
        %dma_start3A_177 = arith.constant 0 : i32
        %dma_start3A_178 = tpu.memref_slice %arg8[%add3A_156, %dma_start3A_177] : memref<28x128xi32, #tpu.memory_space<vmem>> -> memref<1x128xi32, #tpu.memory_space<vmem>>
        %dma_start3A_179 = tpu.memref_squeeze %dma_start3A_178 : memref<1x128xi32, #tpu.memory_space<vmem>> -> memref<128xi32, #tpu.memory_space<vmem>>
        %dma_start3A_180 = arith.constant 0 : i32
        %dma_start3A_181 = arith.constant 0 : i32
        %dma_start3A_182 = tpu.memref_slice %arg6[%dma_start3A_180, %dma_start3A_181] : memref<51200x16xf32, #tpu.memory_space<vmem_shared>> -> memref<51200x16xf32, #tpu.memory_space<vmem_shared>>
        tpu.enqueue_indirect_dma source(%arg12 : memref<128x16xf32, #tpu.memory_space<vmem>>) target(%dma_start3A_182 : memref<51200x16xf32, #tpu.memory_space<vmem_shared>>) offsets(%dma_start3A_179 : memref<128xi32, #tpu.memory_space<vmem>>) semaphore(%arg20 : memref<!tpu.dma_semaphore, #tpu.memory_space<semaphore_mem>>) {add = true}
        %scan3A_183 = arith.constant 0 : i32
        scf.yield %scan3A_183 : i32
      }
      %scan3A_58 = arith.constant 7 : i32
      %dma_wait3A = arith.constant 0 : i32
      %dma_wait3A_59 = arith.constant 0 : i32
      %dma_wait3A_60 = tpu.memref_slice %arg8[%dma_wait3A, %dma_wait3A_59] : memref<28x128xi32, #tpu.memory_space<vmem>> -> memref<1x128xi32, #tpu.memory_space<vmem>>
      %dma_wait3A_61 = tpu.memref_squeeze %dma_wait3A_60 : memref<1x128xi32, #tpu.memory_space<vmem>> -> memref<128xi32, #tpu.memory_space<vmem>>
      %dma_wait3A_62 = arith.constant 0 : i32
      %dma_wait3A_63 = arith.constant 0 : i32
      %dma_wait3A_64 = tpu.memref_slice %arg6[%dma_wait3A_62, %dma_wait3A_63] : memref<51200x16xf32, #tpu.memory_space<vmem_shared>> -> memref<51200x16xf32, #tpu.memory_space<vmem_shared>>
      tpu.wait_indirect_dma semaphore(%arg20 : memref<!tpu.dma_semaphore, #tpu.memory_space<semaphore_mem>>) src(%arg12 : memref<128x16xf32, #tpu.memory_space<vmem>>) dst(%dma_wait3A_64 : memref<51200x16xf32, #tpu.memory_space<vmem_shared>>)
      %scan3A_65 = arith.constant 0 : i32
      scf.yield %scan3A_65 : i32
    }
    %scan3A_20 = arith.constant 14 : i32
    %barrier3A_21 = arith.constant 0 : index
    tpu.barrier barrier_id(%barrier3A_21)
    %mul3A_22 = arith.constant 3200 : i32
    %mul3A_23 = arith.muli %arg1, %mul3A_22 : i32
    %mul3A_24 = arith.constant 3200 : i32
    %mul3A_25 = arith.muli %arg1, %mul3A_24 : i32
    "tpu.region"() ({
      %run_scoped3A = tpu.sem_alloc : memref<!tpu.dma_semaphore, #tpu.memory_space<semaphore_mem>>
      %dma_start3A = arith.constant 0 : i32
      %dma_start3A_26 = tpu.memref_slice %arg5[%arg0, %mul3A_25, %dma_start3A] : memref<2x51200x16xf32, #tpu.memory_space<hbm>> -> memref<1x3200x16xf32, #tpu.memory_space<hbm>>
      %dma_start3A_27 = tpu.memref_squeeze %dma_start3A_26 : memref<1x3200x16xf32, #tpu.memory_space<hbm>> -> memref<3200x16xf32, #tpu.memory_space<hbm>>
      %dma_start3A_28 = arith.constant 0 : i32
      %dma_start3A_29 = tpu.memref_slice %arg6[%mul3A_23, %dma_start3A_28] : memref<51200x16xf32, #tpu.memory_space<vmem_shared>> -> memref<3200x16xf32, #tpu.memory_space<vmem_shared>>
      tpu.enqueue_dma source(%dma_start3A_29 : memref<3200x16xf32, #tpu.memory_space<vmem_shared>>) target(%dma_start3A_27 : memref<3200x16xf32, #tpu.memory_space<hbm>>) target_semaphore(%run_scoped3A : memref<!tpu.dma_semaphore, #tpu.memory_space<semaphore_mem>>)
      %dma_wait3A = arith.constant 0 : i32
      %dma_wait3A_30 = tpu.memref_slice %arg5[%arg0, %mul3A_25, %dma_wait3A] : memref<2x51200x16xf32, #tpu.memory_space<hbm>> -> memref<1x3200x16xf32, #tpu.memory_space<hbm>>
      %dma_wait3A_31 = tpu.memref_squeeze %dma_wait3A_30 : memref<1x3200x16xf32, #tpu.memory_space<hbm>> -> memref<3200x16xf32, #tpu.memory_space<hbm>>
      %dma_wait3A_32 = arith.constant 0 : i32
      %dma_wait3A_33 = tpu.memref_slice %arg6[%mul3A_23, %dma_wait3A_32] : memref<51200x16xf32, #tpu.memory_space<vmem_shared>> -> memref<3200x16xf32, #tpu.memory_space<vmem_shared>>
      tpu.wait_dma2 semaphore(%run_scoped3A : memref<!tpu.dma_semaphore, #tpu.memory_space<semaphore_mem>>) src(%dma_wait3A_33 : memref<3200x16xf32, #tpu.memory_space<vmem_shared>>) dst(%dma_wait3A_31 : memref<3200x16xf32, #tpu.memory_space<hbm>>)
      tpu.yield
    }) : () -> ()
    return
  }
}

#map = affine_map<(d0, d1) -> (0, 0)>
#map1 = affine_map<(d0, d1) -> (0, 0, 0)>
module attributes {stable_mosaic.version = 14 : i64} {
  func.func @k(%arg0: i32, %arg1: i32, %arg2: memref<51200x32xf32, #tpu.memory_space<hbm>>, %arg3: memref<32x392x128xi32, #tpu.memory_space<hbm>>, %arg4: memref<32x392x128xi32, #tpu.memory_space<hbm>>, %arg5: memref<2x51200x32xf32, #tpu.memory_space<hbm>>, %arg6: memref<51200x32xf32, #tpu.memory_space<vmem_shared>>, %arg7: memref<28x128xi32, #tpu.memory_space<vmem>>, %arg8: memref<28x128xi32, #tpu.memory_space<vmem>>, %arg9: memref<128x32xf32, #tpu.memory_space<vmem>>, %arg10: memref<128x32xf32, #tpu.memory_space<vmem>>, %arg11: memref<128x32xf32, #tpu.memory_space<vmem>>, %arg12: memref<128x32xf32, #tpu.memory_space<vmem>>, %arg13: memref<!tpu.dma_semaphore, #tpu.memory_space<semaphore_mem>>, %arg14: memref<!tpu.dma_semaphore, #tpu.memory_space<semaphore_mem>>, %arg15: memref<!tpu.dma_semaphore, #tpu.memory_space<semaphore_mem>>, %arg16: memref<!tpu.dma_semaphore, #tpu.memory_space<semaphore_mem>>, %arg17: memref<!tpu.dma_semaphore, #tpu.memory_space<semaphore_mem>>, %arg18: memref<!tpu.dma_semaphore, #tpu.memory_space<semaphore_mem>>, %arg19: memref<!tpu.dma_semaphore, #tpu.memory_space<semaphore_mem>>, %arg20: memref<!tpu.dma_semaphore, #tpu.memory_space<semaphore_mem>>) attributes {dimension_semantics = [#tpu.dimension_semantics<core_parallel>, #tpu.dimension_semantics<subcore_parallel>], iteration_bounds = array<i64: 2, 16>, scalar_prefetch = 0 : i64, scratch_operands = 15 : i64, tpu.core_type = #tpu.core_type<sc_vector_subcore>, window_params = [{transform_indices = #map}, {transform_indices = #map1}, {transform_indices = #map1}, {transform_indices = #map1}]} {
    %mul3A = arith.constant 16 : i32
    %mul3A_0 = arith.muli %arg0, %mul3A : i32
    %add3A = arith.addi %mul3A_0, %arg1 : i32
    %scan3A = arith.constant 0 : i32
    %scan3A_1 = arith.constant 0 : i32
    %scan3A_2 = arith.constant 256 : i32
    %scan3A_3 = arith.addi %scan3A_1, %scan3A_2 : i32
    %scan3A_4 = arith.constant 1 : i32
    %scan3A_5 = scf.for %scan3A_26 = %scan3A_1 to %scan3A_3 step %scan3A_4 iter_args(%scan3A_27 = %scan3A) -> (i32)  : i32 {
      %broadcast_in_dim3A = arith.constant 0.000000e+00 : f32
      %broadcast_in_dim3A_28 = vector.broadcast %broadcast_in_dim3A : f32 to vector<16xf32>
      %jit3A = arith.constant 2 : i32
      %div3A = arith.divsi %scan3A_26, %jit3A : i32
      %sign3A = arith.constant 0 : i32
      %sign3A_29 = arith.cmpi sgt, %scan3A_26, %sign3A : i32
      %sign3A_30 = arith.extui %sign3A_29 : i1 to i32
      %sign3A_31 = arith.constant 0 : i32
      %sign3A_32 = arith.cmpi slt, %scan3A_26, %sign3A_31 : i32
      %sign3A_33 = arith.extui %sign3A_32 : i1 to i32
      %sign3A_34 = arith.subi %sign3A_30, %sign3A_33 : i32
      %sign3A_35 = arith.constant 0 : i32
      %sign3A_36 = arith.cmpi sgt, %jit3A, %sign3A_35 : i32
      %sign3A_37 = arith.extui %sign3A_36 : i1 to i32
      %sign3A_38 = arith.constant 0 : i32
      %sign3A_39 = arith.cmpi slt, %jit3A, %sign3A_38 : i32
      %sign3A_40 = arith.extui %sign3A_39 : i1 to i32
      %sign3A_41 = arith.subi %sign3A_37, %sign3A_40 : i32
      %ne3A = arith.cmpi ne, %sign3A_34, %sign3A_41 : i32
      %rem3A = arith.remsi %scan3A_26, %jit3A : i32
      %ne3A_42 = arith.constant 0 : i32
      %ne3A_43 = arith.cmpi ne, %rem3A, %ne3A_42 : i32
      %and3A = arith.andi %ne3A, %ne3A_43 : i1
      %sub3A = arith.constant 1 : i32
      %sub3A_44 = arith.subi %div3A, %sub3A : i32
      %select_n3A = arith.select %and3A, %sub3A_44, %div3A : i32
      %jit3A_45 = arith.constant 2 : i32
      %eq3A = arith.constant 0 : i32
      %eq3A_46 = arith.cmpi eq, %jit3A_45, %eq3A : i32
      %jit3A_47 = arith.constant 1 : i32
      %select_n3A_48 = arith.select %eq3A_46, %jit3A_47, %jit3A_45 : i32
      %rem3A_49 = arith.remsi %scan3A_26, %select_n3A_48 : i32
      %ne3A_50 = arith.constant 0 : i32
      %ne3A_51 = arith.cmpi ne, %rem3A_49, %ne3A_50 : i32
      %lt3A = arith.constant 0 : i32
      %lt3A_52 = arith.cmpi slt, %rem3A_49, %lt3A : i32
      %lt3A_53 = arith.constant 0 : i32
      %lt3A_54 = arith.cmpi slt, %select_n3A_48, %lt3A_53 : i32
      %ne3A_55 = arith.xori %lt3A_52, %lt3A_54 : i1
      %and3A_56 = arith.andi %ne3A_55, %ne3A_51 : i1
      %add3A_57 = arith.addi %rem3A_49, %select_n3A_48 : i32
      %select_n3A_58 = arith.select %and3A_56, %add3A_57, %rem3A_49 : i32
      %mul3A_59 = arith.constant 16 : i32
      %mul3A_60 = arith.muli %select_n3A_58, %mul3A_59 : i32
      %swap3A = arith.index_cast %select_n3A : i32 to index
      %swap3A_61 = arith.index_cast %mul3A_60 : i32 to index
      %swap3A_62 = tpu.vector_load %arg9[%swap3A, %swap3A_61] {strides = array<i32>} : memref<128x32xf32, #tpu.memory_space<vmem>>, vector<1x16xf32>,
      %swap3A_63 = vector.shape_cast %swap3A_62 : vector<1x16xf32> to vector<16xf32>
      %swap3A_64 = vector.shape_cast %broadcast_in_dim3A_28 : vector<16xf32> to vector<1x16xf32>
      tpu.vector_store %arg9[%swap3A, %swap3A_61], %swap3A_64 {strides = array<i32>} : memref<128x32xf32, #tpu.memory_space<vmem>>, vector<1x16xf32>,
      %scan3A_65 = arith.constant 0 : i32
      scf.yield %scan3A_65 : i32
    }
    %scan3A_6 = arith.constant 256 : i32
    %scan3A_7 = arith.constant 0 : i32
    %scan3A_8 = arith.constant 0 : i32
    %scan3A_9 = arith.constant 25 : i32
    %scan3A_10 = arith.addi %scan3A_8, %scan3A_9 : i32
    %scan3A_11 = arith.constant 1 : i32
    %scan3A_12 = scf.for %scan3A_26 = %scan3A_8 to %scan3A_10 step %scan3A_11 iter_args(%scan3A_27 = %scan3A_7) -> (i32)  : i32 {
      %mul3A_28 = arith.constant 3200 : i32
      %mul3A_29 = arith.muli %arg1, %mul3A_28 : i32
      %mul3A_30 = arith.constant 128 : i32
      %mul3A_31 = arith.muli %scan3A_26, %mul3A_30 : i32
      %add3A_32 = arith.addi %mul3A_29, %mul3A_31 : i32
      "tpu.region"() ({
        %run_scoped3A = tpu.sem_alloc : memref<!tpu.dma_semaphore, #tpu.memory_space<semaphore_mem>>
        %dma_start3A = arith.constant 0 : i32
        %dma_start3A_34 = tpu.memref_slice %arg6[%add3A_32, %dma_start3A] : memref<51200x32xf32, #tpu.memory_space<vmem_shared>> -> memref<128x32xf32, #tpu.memory_space<vmem_shared>>
        %dma_start3A_35 = arith.constant 0 : i32
        %dma_start3A_36 = tpu.memref_slice %arg6[%add3A_32, %dma_start3A_35] : memref<51200x32xf32, #tpu.memory_space<vmem_shared>> -> memref<128x32xf32, #tpu.memory_space<vmem_shared>>
        tpu.enqueue_dma source(%arg9 : memref<128x32xf32, #tpu.memory_space<vmem>>) target(%dma_start3A_36 : memref<128x32xf32, #tpu.memory_space<vmem_shared>>) target_semaphore(%run_scoped3A : memref<!tpu.dma_semaphore, #tpu.memory_space<semaphore_mem>>)
        %dma_wait3A = arith.constant 0 : i32
        %dma_wait3A_37 = tpu.memref_slice %arg6[%add3A_32, %dma_wait3A] : memref<51200x32xf32, #tpu.memory_space<vmem_shared>> -> memref<128x32xf32, #tpu.memory_space<vmem_shared>>
        %dma_wait3A_38 = arith.constant 0 : i32
        %dma_wait3A_39 = tpu.memref_slice %arg6[%add3A_32, %dma_wait3A_38] : memref<51200x32xf32, #tpu.memory_space<vmem_shared>> -> memref<128x32xf32, #tpu.memory_space<vmem_shared>>
        tpu.wait_dma2 semaphore(%run_scoped3A : memref<!tpu.dma_semaphore, #tpu.memory_space<semaphore_mem>>) src(%arg9 : memref<128x32xf32, #tpu.memory_space<vmem>>) dst(%dma_wait3A_39 : memref<128x32xf32, #tpu.memory_space<vmem_shared>>)
        tpu.yield
      }) : () -> ()
      %scan3A_33 = arith.constant 0 : i32
      scf.yield %scan3A_33 : i32
    }
    %scan3A_13 = arith.constant 25 : i32
    %barrier3A = arith.constant 0 : index
    tpu.barrier barrier_id(%barrier3A)
    %scan3A_14 = arith.constant 0 : i32
    %scan3A_15 = arith.constant 0 : i32
    %scan3A_16 = arith.constant 14 : i32
    %scan3A_17 = arith.addi %scan3A_15, %scan3A_16 : i32
    %scan3A_18 = arith.constant 1 : i32
    %scan3A_19 = scf.for %scan3A_26 = %scan3A_15 to %scan3A_17 step %scan3A_18 iter_args(%scan3A_27 = %scan3A_14) -> (i32)  : i32 {
      %mul3A_28 = arith.constant 28 : i32
      %mul3A_29 = arith.muli %scan3A_26, %mul3A_28 : i32
      "tpu.region"() ({
        %run_scoped3A = tpu.sem_alloc : memref<!tpu.dma_semaphore, #tpu.memory_space<semaphore_mem>>
        %dma_start3A_66 = arith.constant 0 : i32
        %dma_start3A_67 = tpu.memref_slice %arg3[%add3A, %mul3A_29, %dma_start3A_66] : memref<32x392x128xi32, #tpu.memory_space<hbm>> -> memref<1x28x128xi32, #tpu.memory_space<hbm>>
        %dma_start3A_68 = tpu.memref_squeeze %dma_start3A_67 : memref<1x28x128xi32, #tpu.memory_space<hbm>> -> memref<28x128xi32, #tpu.memory_space<hbm>>
        %dma_start3A_69 = arith.constant 0 : i32
        %dma_start3A_70 = tpu.memref_slice %arg3[%add3A, %mul3A_29, %dma_start3A_69] : memref<32x392x128xi32, #tpu.memory_space<hbm>> -> memref<1x28x128xi32, #tpu.memory_space<hbm>>
        %dma_start3A_71 = tpu.memref_squeeze %dma_start3A_70 : memref<1x28x128xi32, #tpu.memory_space<hbm>> -> memref<28x128xi32, #tpu.memory_space<hbm>>
        tpu.enqueue_dma source(%dma_start3A_71 : memref<28x128xi32, #tpu.memory_space<hbm>>) target(%arg7 : memref<28x128xi32, #tpu.memory_space<vmem>>) target_semaphore(%run_scoped3A : memref<!tpu.dma_semaphore, #tpu.memory_space<semaphore_mem>>)
        %dma_wait3A_72 = arith.constant 0 : i32
        %dma_wait3A_73 = tpu.memref_slice %arg3[%add3A, %mul3A_29, %dma_wait3A_72] : memref<32x392x128xi32, #tpu.memory_space<hbm>> -> memref<1x28x128xi32, #tpu.memory_space<hbm>>
        %dma_wait3A_74 = tpu.memref_squeeze %dma_wait3A_73 : memref<1x28x128xi32, #tpu.memory_space<hbm>> -> memref<28x128xi32, #tpu.memory_space<hbm>>
        %dma_wait3A_75 = arith.constant 0 : i32
        %dma_wait3A_76 = tpu.memref_slice %arg3[%add3A, %mul3A_29, %dma_wait3A_75] : memref<32x392x128xi32, #tpu.memory_space<hbm>> -> memref<1x28x128xi32, #tpu.memory_space<hbm>>
        %dma_wait3A_77 = tpu.memref_squeeze %dma_wait3A_76 : memref<1x28x128xi32, #tpu.memory_space<hbm>> -> memref<28x128xi32, #tpu.memory_space<hbm>>
        tpu.wait_dma2 semaphore(%run_scoped3A : memref<!tpu.dma_semaphore, #tpu.memory_space<semaphore_mem>>) src(%dma_wait3A_77 : memref<28x128xi32, #tpu.memory_space<hbm>>) dst(%arg7 : memref<28x128xi32, #tpu.memory_space<vmem>>)
        tpu.yield
      }) : () -> ()
      %mul3A_30 = arith.constant 28 : i32
      %mul3A_31 = arith.muli %scan3A_26, %mul3A_30 : i32
      "tpu.region"() ({
        %run_scoped3A = tpu.sem_alloc : memref<!tpu.dma_semaphore, #tpu.memory_space<semaphore_mem>>
        %dma_start3A_66 = arith.constant 0 : i32
        %dma_start3A_67 = tpu.memref_slice %arg4[%add3A, %mul3A_31, %dma_start3A_66] : memref<32x392x128xi32, #tpu.memory_space<hbm>> -> memref<1x28x128xi32, #tpu.memory_space<hbm>>
        %dma_start3A_68 = tpu.memref_squeeze %dma_start3A_67 : memref<1x28x128xi32, #tpu.memory_space<hbm>> -> memref<28x128xi32, #tpu.memory_space<hbm>>
        %dma_start3A_69 = arith.constant 0 : i32
        %dma_start3A_70 = tpu.memref_slice %arg4[%add3A, %mul3A_31, %dma_start3A_69] : memref<32x392x128xi32, #tpu.memory_space<hbm>> -> memref<1x28x128xi32, #tpu.memory_space<hbm>>
        %dma_start3A_71 = tpu.memref_squeeze %dma_start3A_70 : memref<1x28x128xi32, #tpu.memory_space<hbm>> -> memref<28x128xi32, #tpu.memory_space<hbm>>
        tpu.enqueue_dma source(%dma_start3A_71 : memref<28x128xi32, #tpu.memory_space<hbm>>) target(%arg8 : memref<28x128xi32, #tpu.memory_space<vmem>>) target_semaphore(%run_scoped3A : memref<!tpu.dma_semaphore, #tpu.memory_space<semaphore_mem>>)
        %dma_wait3A_72 = arith.constant 0 : i32
        %dma_wait3A_73 = tpu.memref_slice %arg4[%add3A, %mul3A_31, %dma_wait3A_72] : memref<32x392x128xi32, #tpu.memory_space<hbm>> -> memref<1x28x128xi32, #tpu.memory_space<hbm>>
        %dma_wait3A_74 = tpu.memref_squeeze %dma_wait3A_73 : memref<1x28x128xi32, #tpu.memory_space<hbm>> -> memref<28x128xi32, #tpu.memory_space<hbm>>
        %dma_wait3A_75 = arith.constant 0 : i32
        %dma_wait3A_76 = tpu.memref_slice %arg4[%add3A, %mul3A_31, %dma_wait3A_75] : memref<32x392x128xi32, #tpu.memory_space<hbm>> -> memref<1x28x128xi32, #tpu.memory_space<hbm>>
        %dma_wait3A_77 = tpu.memref_squeeze %dma_wait3A_76 : memref<1x28x128xi32, #tpu.memory_space<hbm>> -> memref<28x128xi32, #tpu.memory_space<hbm>>
        tpu.wait_dma2 semaphore(%run_scoped3A : memref<!tpu.dma_semaphore, #tpu.memory_space<semaphore_mem>>) src(%dma_wait3A_77 : memref<28x128xi32, #tpu.memory_space<hbm>>) dst(%arg8 : memref<28x128xi32, #tpu.memory_space<vmem>>)
        tpu.yield
      }) : () -> ()
      %dma_start3A = arith.constant 0 : i32
      %dma_start3A_32 = arith.constant 0 : i32
      %dma_start3A_33 = tpu.memref_slice %arg7[%dma_start3A, %dma_start3A_32] : memref<28x128xi32, #tpu.memory_space<vmem>> -> memref<1x128xi32, #tpu.memory_space<vmem>>
      %dma_start3A_34 = tpu.memref_squeeze %dma_start3A_33 : memref<1x128xi32, #tpu.memory_space<vmem>> -> memref<128xi32, #tpu.memory_space<vmem>>
      %dma_start3A_35 = arith.constant 0 : i32
      %dma_start3A_36 = arith.constant 0 : i32
      %dma_start3A_37 = tpu.memref_slice %arg2[%dma_start3A_35, %dma_start3A_36] : memref<51200x32xf32, #tpu.memory_space<hbm>> -> memref<51200x32xf32, #tpu.memory_space<hbm>>
      tpu.enqueue_indirect_dma source(%dma_start3A_37 : memref<51200x32xf32, #tpu.memory_space<hbm>>) target(%arg9 : memref<128x32xf32, #tpu.memory_space<vmem>>) offsets(%dma_start3A_34 : memref<128xi32, #tpu.memory_space<vmem>>) semaphore(%arg13 : memref<!tpu.dma_semaphore, #tpu.memory_space<semaphore_mem>>)
      %dma_start3A_38 = arith.constant 1 : i32
      %dma_start3A_39 = arith.constant 0 : i32
      %dma_start3A_40 = tpu.memref_slice %arg7[%dma_start3A_38, %dma_start3A_39] : memref<28x128xi32, #tpu.memory_space<vmem>> -> memref<1x128xi32, #tpu.memory_space<vmem>>
      %dma_start3A_41 = tpu.memref_squeeze %dma_start3A_40 : memref<1x128xi32, #tpu.memory_space<vmem>> -> memref<128xi32, #tpu.memory_space<vmem>>
      %dma_start3A_42 = arith.constant 0 : i32
      %dma_start3A_43 = arith.constant 0 : i32
      %dma_start3A_44 = tpu.memref_slice %arg2[%dma_start3A_42, %dma_start3A_43] : memref<51200x32xf32, #tpu.memory_space<hbm>> -> memref<51200x32xf32, #tpu.memory_space<hbm>>
      tpu.enqueue_indirect_dma source(%dma_start3A_44 : memref<51200x32xf32, #tpu.memory_space<hbm>>) target(%arg10 : memref<128x32xf32, #tpu.memory_space<vmem>>) offsets(%dma_start3A_41 : memref<128xi32, #tpu.memory_space<vmem>>) semaphore(%arg14 : memref<!tpu.dma_semaphore, #tpu.memory_space<semaphore_mem>>)
      %dma_start3A_45 = arith.constant 2 : i32
      %dma_start3A_46 = arith.constant 0 : i32
      %dma_start3A_47 = tpu.memref_slice %arg7[%dma_start3A_45, %dma_start3A_46] : memref<28x128xi32, #tpu.memory_space<vmem>> -> memref<1x128xi32, #tpu.memory_space<vmem>>
      %dma_start3A_48 = tpu.memref_squeeze %dma_start3A_47 : memref<1x128xi32, #tpu.memory_space<vmem>> -> memref<128xi32, #tpu.memory_space<vmem>>
      %dma_start3A_49 = arith.constant 0 : i32
      %dma_start3A_50 = arith.constant 0 : i32
      %dma_start3A_51 = tpu.memref_slice %arg2[%dma_start3A_49, %dma_start3A_50] : memref<51200x32xf32, #tpu.memory_space<hbm>> -> memref<51200x32xf32, #tpu.memory_space<hbm>>
      tpu.enqueue_indirect_dma source(%dma_start3A_51 : memref<51200x32xf32, #tpu.memory_space<hbm>>) target(%arg11 : memref<128x32xf32, #tpu.memory_space<vmem>>) offsets(%dma_start3A_48 : memref<128xi32, #tpu.memory_space<vmem>>) semaphore(%arg15 : memref<!tpu.dma_semaphore, #tpu.memory_space<semaphore_mem>>)
      %scan3A_52 = arith.constant 0 : i32
      %scan3A_53 = arith.constant 0 : i32
      %scan3A_54 = arith.constant 7 : i32
      %scan3A_55 = arith.addi %scan3A_53, %scan3A_54 : i32
      %scan3A_56 = arith.constant 1 : i32
      %scan3A_57 = scf.for %scan3A_66 = %scan3A_53 to %scan3A_55 step %scan3A_56 iter_args(%scan3A_67 = %scan3A_52) -> (i32)  : i32 {
        %mul3A_68 = arith.constant 4 : i32
        %mul3A_69 = arith.muli %mul3A_68, %scan3A_66 : i32
        %add3A_70 = arith.constant 0 : i32
        %add3A_71 = arith.addi %mul3A_69, %add3A_70 : i32
        %gt3A = arith.constant 0 : i32
        %gt3A_72 = arith.cmpi sgt, %scan3A_66, %gt3A : i32
        %convert_element_type3A = arith.extui %gt3A_72 : i1 to i32
        %cond3A = arith.constant 0 : i32
        %cond3A_73 = arith.cmpi ne, %convert_element_type3A, %cond3A : i32
        scf.if %cond3A_73 {
          %dma_wait3A_184 = arith.constant 0 : i32
          %dma_wait3A_185 = arith.constant 0 : i32
          %dma_wait3A_186 = tpu.memref_slice %arg8[%dma_wait3A_184, %dma_wait3A_185] : memref<28x128xi32, #tpu.memory_space<vmem>> -> memref<1x128xi32, #tpu.memory_space<vmem>>
          %dma_wait3A_187 = tpu.memref_squeeze %dma_wait3A_186 : memref<1x128xi32, #tpu.memory_space<vmem>> -> memref<128xi32, #tpu.memory_space<vmem>>
          %dma_wait3A_188 = arith.constant 0 : i32
          %dma_wait3A_189 = arith.constant 0 : i32
          %dma_wait3A_190 = tpu.memref_slice %arg6[%dma_wait3A_188, %dma_wait3A_189] : memref<51200x32xf32, #tpu.memory_space<vmem_shared>> -> memref<51200x32xf32, #tpu.memory_space<vmem_shared>>
          tpu.wait_indirect_dma semaphore(%arg20 : memref<!tpu.dma_semaphore, #tpu.memory_space<semaphore_mem>>) src(%arg12 : memref<128x32xf32, #tpu.memory_space<vmem>>) dst(%dma_wait3A_190 : memref<51200x32xf32, #tpu.memory_space<vmem_shared>>)
        } else {
        }
        %add3A_74 = arith.constant 3 : i32
        %add3A_75 = arith.addi %add3A_71, %add3A_74 : i32
        %dma_start3A_76 = arith.constant 0 : i32
        %dma_start3A_77 = tpu.memref_slice %arg7[%add3A_75, %dma_start3A_76] : memref<28x128xi32, #tpu.memory_space<vmem>> -> memref<1x128xi32, #tpu.memory_space<vmem>>
        %dma_start3A_78 = tpu.memref_squeeze %dma_start3A_77 : memref<1x128xi32, #tpu.memory_space<vmem>> -> memref<128xi32, #tpu.memory_space<vmem>>
        %dma_start3A_79 = arith.constant 0 : i32
        %dma_start3A_80 = arith.constant 0 : i32
        %dma_start3A_81 = tpu.memref_slice %arg2[%dma_start3A_79, %dma_start3A_80] : memref<51200x32xf32, #tpu.memory_space<hbm>> -> memref<51200x32xf32, #tpu.memory_space<hbm>>
        tpu.enqueue_indirect_dma source(%dma_start3A_81 : memref<51200x32xf32, #tpu.memory_space<hbm>>) target(%arg12 : memref<128x32xf32, #tpu.memory_space<vmem>>) offsets(%dma_start3A_78 : memref<128xi32, #tpu.memory_space<vmem>>) semaphore(%arg16 : memref<!tpu.dma_semaphore, #tpu.memory_space<semaphore_mem>>)
        %dma_wait3A_82 = arith.constant 0 : i32
        %dma_wait3A_83 = arith.constant 0 : i32
        %dma_wait3A_84 = tpu.memref_slice %arg2[%dma_wait3A_82, %dma_wait3A_83] : memref<51200x32xf32, #tpu.memory_space<hbm>> -> memref<128x32xf32, #tpu.memory_space<hbm>>
        %dma_wait3A_85 = arith.constant 0 : i32
        %dma_wait3A_86 = arith.constant 0 : i32
        %dma_wait3A_87 = tpu.memref_slice %arg2[%dma_wait3A_85, %dma_wait3A_86] : memref<51200x32xf32, #tpu.memory_space<hbm>> -> memref<128x32xf32, #tpu.memory_space<hbm>>
        tpu.wait_dma2 semaphore(%arg13 : memref<!tpu.dma_semaphore, #tpu.memory_space<semaphore_mem>>) src(%dma_wait3A_87 : memref<128x32xf32, #tpu.memory_space<hbm>>) dst(%arg9 : memref<128x32xf32, #tpu.memory_space<vmem>>)
        %dma_start3A_88 = arith.constant 0 : i32
        %dma_start3A_89 = tpu.memref_slice %arg8[%add3A_71, %dma_start3A_88] : memref<28x128xi32, #tpu.memory_space<vmem>> -> memref<1x128xi32, #tpu.memory_space<vmem>>
        %dma_start3A_90 = tpu.memref_squeeze %dma_start3A_89 : memref<1x128xi32, #tpu.memory_space<vmem>> -> memref<128xi32, #tpu.memory_space<vmem>>
        %dma_start3A_91 = arith.constant 0 : i32
        %dma_start3A_92 = arith.constant 0 : i32
        %dma_start3A_93 = tpu.memref_slice %arg6[%dma_start3A_91, %dma_start3A_92] : memref<51200x32xf32, #tpu.memory_space<vmem_shared>> -> memref<51200x32xf32, #tpu.memory_space<vmem_shared>>
        tpu.enqueue_indirect_dma source(%arg9 : memref<128x32xf32, #tpu.memory_space<vmem>>) target(%dma_start3A_93 : memref<51200x32xf32, #tpu.memory_space<vmem_shared>>) offsets(%dma_start3A_90 : memref<128xi32, #tpu.memory_space<vmem>>) semaphore(%arg17 : memref<!tpu.dma_semaphore, #tpu.memory_space<semaphore_mem>>) {add = true}
        %mul3A_94 = arith.constant 4 : i32
        %mul3A_95 = arith.muli %mul3A_94, %scan3A_66 : i32
        %add3A_96 = arith.constant 1 : i32
        %add3A_97 = arith.addi %mul3A_95, %add3A_96 : i32
        %dma_wait3A_98 = arith.constant 0 : i32
        %dma_wait3A_99 = arith.constant 0 : i32
        %dma_wait3A_100 = tpu.memref_slice %arg8[%dma_wait3A_98, %dma_wait3A_99] : memref<28x128xi32, #tpu.memory_space<vmem>> -> memref<1x128xi32, #tpu.memory_space<vmem>>
        %dma_wait3A_101 = tpu.memref_squeeze %dma_wait3A_100 : memref<1x128xi32, #tpu.memory_space<vmem>> -> memref<128xi32, #tpu.memory_space<vmem>>
        %dma_wait3A_102 = arith.constant 0 : i32
        %dma_wait3A_103 = arith.constant 0 : i32
        %dma_wait3A_104 = tpu.memref_slice %arg6[%dma_wait3A_102, %dma_wait3A_103] : memref<51200x32xf32, #tpu.memory_space<vmem_shared>> -> memref<51200x32xf32, #tpu.memory_space<vmem_shared>>
        tpu.wait_indirect_dma semaphore(%arg17 : memref<!tpu.dma_semaphore, #tpu.memory_space<semaphore_mem>>) src(%arg9 : memref<128x32xf32, #tpu.memory_space<vmem>>) dst(%dma_wait3A_104 : memref<51200x32xf32, #tpu.memory_space<vmem_shared>>)
        %add3A_105 = arith.constant 3 : i32
        %add3A_106 = arith.addi %add3A_97, %add3A_105 : i32
        %lt3A = arith.constant 28 : i32
        %lt3A_107 = arith.cmpi slt, %add3A_106, %lt3A : i32
        %convert_element_type3A_108 = arith.extui %lt3A_107 : i1 to i32
        %cond3A_109 = arith.constant 0 : i32
        %cond3A_110 = arith.cmpi ne, %convert_element_type3A_108, %cond3A_109 : i32
        scf.if %cond3A_110 {
          %add3A_184 = arith.constant 3 : i32
          %add3A_185 = arith.addi %add3A_97, %add3A_184 : i32
          %dma_start3A_186 = arith.constant 0 : i32
          %dma_start3A_187 = tpu.memref_slice %arg7[%add3A_185, %dma_start3A_186] : memref<28x128xi32, #tpu.memory_space<vmem>> -> memref<1x128xi32, #tpu.memory_space<vmem>>
          %dma_start3A_188 = tpu.memref_squeeze %dma_start3A_187 : memref<1x128xi32, #tpu.memory_space<vmem>> -> memref<128xi32, #tpu.memory_space<vmem>>
          %dma_start3A_189 = arith.constant 0 : i32
          %dma_start3A_190 = arith.constant 0 : i32
          %dma_start3A_191 = tpu.memref_slice %arg2[%dma_start3A_189, %dma_start3A_190] : memref<51200x32xf32, #tpu.memory_space<hbm>> -> memref<51200x32xf32, #tpu.memory_space<hbm>>
          tpu.enqueue_indirect_dma source(%dma_start3A_191 : memref<51200x32xf32, #tpu.memory_space<hbm>>) target(%arg9 : memref<128x32xf32, #tpu.memory_space<vmem>>) offsets(%dma_start3A_188 : memref<128xi32, #tpu.memory_space<vmem>>) semaphore(%arg13 : memref<!tpu.dma_semaphore, #tpu.memory_space<semaphore_mem>>)
        } else {
        }
        %dma_wait3A_111 = arith.constant 0 : i32
        %dma_wait3A_112 = arith.constant 0 : i32
        %dma_wait3A_113 = tpu.memref_slice %arg2[%dma_wait3A_111, %dma_wait3A_112] : memref<51200x32xf32, #tpu.memory_space<hbm>> -> memref<128x32xf32, #tpu.memory_space<hbm>>
        %dma_wait3A_114 = arith.constant 0 : i32
        %dma_wait3A_115 = arith.constant 0 : i32
        %dma_wait3A_116 = tpu.memref_slice %arg2[%dma_wait3A_114, %dma_wait3A_115] : memref<51200x32xf32, #tpu.memory_space<hbm>> -> memref<128x32xf32, #tpu.memory_space<hbm>>
        tpu.wait_dma2 semaphore(%arg14 : memref<!tpu.dma_semaphore, #tpu.memory_space<semaphore_mem>>) src(%dma_wait3A_116 : memref<128x32xf32, #tpu.memory_space<hbm>>) dst(%arg10 : memref<128x32xf32, #tpu.memory_space<vmem>>)
        %dma_start3A_117 = arith.constant 0 : i32
        %dma_start3A_118 = tpu.memref_slice %arg8[%add3A_97, %dma_start3A_117] : memref<28x128xi32, #tpu.memory_space<vmem>> -> memref<1x128xi32, #tpu.memory_space<vmem>>
        %dma_start3A_119 = tpu.memref_squeeze %dma_start3A_118 : memref<1x128xi32, #tpu.memory_space<vmem>> -> memref<128xi32, #tpu.memory_space<vmem>>
        %dma_start3A_120 = arith.constant 0 : i32
        %dma_start3A_121 = arith.constant 0 : i32
        %dma_start3A_122 = tpu.memref_slice %arg6[%dma_start3A_120, %dma_start3A_121] : memref<51200x32xf32, #tpu.memory_space<vmem_shared>> -> memref<51200x32xf32, #tpu.memory_space<vmem_shared>>
        tpu.enqueue_indirect_dma source(%arg10 : memref<128x32xf32, #tpu.memory_space<vmem>>) target(%dma_start3A_122 : memref<51200x32xf32, #tpu.memory_space<vmem_shared>>) offsets(%dma_start3A_119 : memref<128xi32, #tpu.memory_space<vmem>>) semaphore(%arg18 : memref<!tpu.dma_semaphore, #tpu.memory_space<semaphore_mem>>) {add = true}
        %mul3A_123 = arith.constant 4 : i32
        %mul3A_124 = arith.muli %mul3A_123, %scan3A_66 : i32
        %add3A_125 = arith.constant 2 : i32
        %add3A_126 = arith.addi %mul3A_124, %add3A_125 : i32
        %dma_wait3A_127 = arith.constant 0 : i32
        %dma_wait3A_128 = arith.constant 0 : i32
        %dma_wait3A_129 = tpu.memref_slice %arg8[%dma_wait3A_127, %dma_wait3A_128] : memref<28x128xi32, #tpu.memory_space<vmem>> -> memref<1x128xi32, #tpu.memory_space<vmem>>
        %dma_wait3A_130 = tpu.memref_squeeze %dma_wait3A_129 : memref<1x128xi32, #tpu.memory_space<vmem>> -> memref<128xi32, #tpu.memory_space<vmem>>
        %dma_wait3A_131 = arith.constant 0 : i32
        %dma_wait3A_132 = arith.constant 0 : i32
        %dma_wait3A_133 = tpu.memref_slice %arg6[%dma_wait3A_131, %dma_wait3A_132] : memref<51200x32xf32, #tpu.memory_space<vmem_shared>> -> memref<51200x32xf32, #tpu.memory_space<vmem_shared>>
        tpu.wait_indirect_dma semaphore(%arg18 : memref<!tpu.dma_semaphore, #tpu.memory_space<semaphore_mem>>) src(%arg10 : memref<128x32xf32, #tpu.memory_space<vmem>>) dst(%dma_wait3A_133 : memref<51200x32xf32, #tpu.memory_space<vmem_shared>>)
        %add3A_134 = arith.constant 3 : i32
        %add3A_135 = arith.addi %add3A_126, %add3A_134 : i32
        %lt3A_136 = arith.constant 28 : i32
        %lt3A_137 = arith.cmpi slt, %add3A_135, %lt3A_136 : i32
        %convert_element_type3A_138 = arith.extui %lt3A_137 : i1 to i32
        %cond3A_139 = arith.constant 0 : i32
        %cond3A_140 = arith.cmpi ne, %convert_element_type3A_138, %cond3A_139 : i32
        scf.if %cond3A_140 {
          %add3A_184 = arith.constant 3 : i32
          %add3A_185 = arith.addi %add3A_126, %add3A_184 : i32
          %dma_start3A_186 = arith.constant 0 : i32
          %dma_start3A_187 = tpu.memref_slice %arg7[%add3A_185, %dma_start3A_186] : memref<28x128xi32, #tpu.memory_space<vmem>> -> memref<1x128xi32, #tpu.memory_space<vmem>>
          %dma_start3A_188 = tpu.memref_squeeze %dma_start3A_187 : memref<1x128xi32, #tpu.memory_space<vmem>> -> memref<128xi32, #tpu.memory_space<vmem>>
          %dma_start3A_189 = arith.constant 0 : i32
          %dma_start3A_190 = arith.constant 0 : i32
          %dma_start3A_191 = tpu.memref_slice %arg2[%dma_start3A_189, %dma_start3A_190] : memref<51200x32xf32, #tpu.memory_space<hbm>> -> memref<51200x32xf32, #tpu.memory_space<hbm>>
          tpu.enqueue_indirect_dma source(%dma_start3A_191 : memref<51200x32xf32, #tpu.memory_space<hbm>>) target(%arg10 : memref<128x32xf32, #tpu.memory_space<vmem>>) offsets(%dma_start3A_188 : memref<128xi32, #tpu.memory_space<vmem>>) semaphore(%arg14 : memref<!tpu.dma_semaphore, #tpu.memory_space<semaphore_mem>>)
        } else {
        }
        %dma_wait3A_141 = arith.constant 0 : i32
        %dma_wait3A_142 = arith.constant 0 : i32
        %dma_wait3A_143 = tpu.memref_slice %arg2[%dma_wait3A_141, %dma_wait3A_142] : memref<51200x32xf32, #tpu.memory_space<hbm>> -> memref<128x32xf32, #tpu.memory_space<hbm>>
        %dma_wait3A_144 = arith.constant 0 : i32
        %dma_wait3A_145 = arith.constant 0 : i32
        %dma_wait3A_146 = tpu.memref_slice %arg2[%dma_wait3A_144, %dma_wait3A_145] : memref<51200x32xf32, #tpu.memory_space<hbm>> -> memref<128x32xf32, #tpu.memory_space<hbm>>
        tpu.wait_dma2 semaphore(%arg15 : memref<!tpu.dma_semaphore, #tpu.memory_space<semaphore_mem>>) src(%dma_wait3A_146 : memref<128x32xf32, #tpu.memory_space<hbm>>) dst(%arg11 : memref<128x32xf32, #tpu.memory_space<vmem>>)
        %dma_start3A_147 = arith.constant 0 : i32
        %dma_start3A_148 = tpu.memref_slice %arg8[%add3A_126, %dma_start3A_147] : memref<28x128xi32, #tpu.memory_space<vmem>> -> memref<1x128xi32, #tpu.memory_space<vmem>>
        %dma_start3A_149 = tpu.memref_squeeze %dma_start3A_148 : memref<1x128xi32, #tpu.memory_space<vmem>> -> memref<128xi32, #tpu.memory_space<vmem>>
        %dma_start3A_150 = arith.constant 0 : i32
        %dma_start3A_151 = arith.constant 0 : i32
        %dma_start3A_152 = tpu.memref_slice %arg6[%dma_start3A_150, %dma_start3A_151] : memref<51200x32xf32, #tpu.memory_space<vmem_shared>> -> memref<51200x32xf32, #tpu.memory_space<vmem_shared>>
        tpu.enqueue_indirect_dma source(%arg11 : memref<128x32xf32, #tpu.memory_space<vmem>>) target(%dma_start3A_152 : memref<51200x32xf32, #tpu.memory_space<vmem_shared>>) offsets(%dma_start3A_149 : memref<128xi32, #tpu.memory_space<vmem>>) semaphore(%arg19 : memref<!tpu.dma_semaphore, #tpu.memory_space<semaphore_mem>>) {add = true}
        %mul3A_153 = arith.constant 4 : i32
        %mul3A_154 = arith.muli %mul3A_153, %scan3A_66 : i32
        %add3A_155 = arith.constant 3 : i32
        %add3A_156 = arith.addi %mul3A_154, %add3A_155 : i32
        %dma_wait3A_157 = arith.constant 0 : i32
        %dma_wait3A_158 = arith.constant 0 : i32
        %dma_wait3A_159 = tpu.memref_slice %arg8[%dma_wait3A_157, %dma_wait3A_158] : memref<28x128xi32, #tpu.memory_space<vmem>> -> memref<1x128xi32, #tpu.memory_space<vmem>>
        %dma_wait3A_160 = tpu.memref_squeeze %dma_wait3A_159 : memref<1x128xi32, #tpu.memory_space<vmem>> -> memref<128xi32, #tpu.memory_space<vmem>>
        %dma_wait3A_161 = arith.constant 0 : i32
        %dma_wait3A_162 = arith.constant 0 : i32
        %dma_wait3A_163 = tpu.memref_slice %arg6[%dma_wait3A_161, %dma_wait3A_162] : memref<51200x32xf32, #tpu.memory_space<vmem_shared>> -> memref<51200x32xf32, #tpu.memory_space<vmem_shared>>
        tpu.wait_indirect_dma semaphore(%arg19 : memref<!tpu.dma_semaphore, #tpu.memory_space<semaphore_mem>>) src(%arg11 : memref<128x32xf32, #tpu.memory_space<vmem>>) dst(%dma_wait3A_163 : memref<51200x32xf32, #tpu.memory_space<vmem_shared>>)
        %add3A_164 = arith.constant 3 : i32
        %add3A_165 = arith.addi %add3A_156, %add3A_164 : i32
        %lt3A_166 = arith.constant 28 : i32
        %lt3A_167 = arith.cmpi slt, %add3A_165, %lt3A_166 : i32
        %convert_element_type3A_168 = arith.extui %lt3A_167 : i1 to i32
        %cond3A_169 = arith.constant 0 : i32
        %cond3A_170 = arith.cmpi ne, %convert_element_type3A_168, %cond3A_169 : i32
        scf.if %cond3A_170 {
          %add3A_184 = arith.constant 3 : i32
          %add3A_185 = arith.addi %add3A_156, %add3A_184 : i32
          %dma_start3A_186 = arith.constant 0 : i32
          %dma_start3A_187 = tpu.memref_slice %arg7[%add3A_185, %dma_start3A_186] : memref<28x128xi32, #tpu.memory_space<vmem>> -> memref<1x128xi32, #tpu.memory_space<vmem>>
          %dma_start3A_188 = tpu.memref_squeeze %dma_start3A_187 : memref<1x128xi32, #tpu.memory_space<vmem>> -> memref<128xi32, #tpu.memory_space<vmem>>
          %dma_start3A_189 = arith.constant 0 : i32
          %dma_start3A_190 = arith.constant 0 : i32
          %dma_start3A_191 = tpu.memref_slice %arg2[%dma_start3A_189, %dma_start3A_190] : memref<51200x32xf32, #tpu.memory_space<hbm>> -> memref<51200x32xf32, #tpu.memory_space<hbm>>
          tpu.enqueue_indirect_dma source(%dma_start3A_191 : memref<51200x32xf32, #tpu.memory_space<hbm>>) target(%arg11 : memref<128x32xf32, #tpu.memory_space<vmem>>) offsets(%dma_start3A_188 : memref<128xi32, #tpu.memory_space<vmem>>) semaphore(%arg15 : memref<!tpu.dma_semaphore, #tpu.memory_space<semaphore_mem>>)
        } else {
        }
        %dma_wait3A_171 = arith.constant 0 : i32
        %dma_wait3A_172 = arith.constant 0 : i32
        %dma_wait3A_173 = tpu.memref_slice %arg2[%dma_wait3A_171, %dma_wait3A_172] : memref<51200x32xf32, #tpu.memory_space<hbm>> -> memref<128x32xf32, #tpu.memory_space<hbm>>
        %dma_wait3A_174 = arith.constant 0 : i32
        %dma_wait3A_175 = arith.constant 0 : i32
        %dma_wait3A_176 = tpu.memref_slice %arg2[%dma_wait3A_174, %dma_wait3A_175] : memref<51200x32xf32, #tpu.memory_space<hbm>> -> memref<128x32xf32, #tpu.memory_space<hbm>>
        tpu.wait_dma2 semaphore(%arg16 : memref<!tpu.dma_semaphore, #tpu.memory_space<semaphore_mem>>) src(%dma_wait3A_176 : memref<128x32xf32, #tpu.memory_space<hbm>>) dst(%arg12 : memref<128x32xf32, #tpu.memory_space<vmem>>)
        %dma_start3A_177 = arith.constant 0 : i32
        %dma_start3A_178 = tpu.memref_slice %arg8[%add3A_156, %dma_start3A_177] : memref<28x128xi32, #tpu.memory_space<vmem>> -> memref<1x128xi32, #tpu.memory_space<vmem>>
        %dma_start3A_179 = tpu.memref_squeeze %dma_start3A_178 : memref<1x128xi32, #tpu.memory_space<vmem>> -> memref<128xi32, #tpu.memory_space<vmem>>
        %dma_start3A_180 = arith.constant 0 : i32
        %dma_start3A_181 = arith.constant 0 : i32
        %dma_start3A_182 = tpu.memref_slice %arg6[%dma_start3A_180, %dma_start3A_181] : memref<51200x32xf32, #tpu.memory_space<vmem_shared>> -> memref<51200x32xf32, #tpu.memory_space<vmem_shared>>
        tpu.enqueue_indirect_dma source(%arg12 : memref<128x32xf32, #tpu.memory_space<vmem>>) target(%dma_start3A_182 : memref<51200x32xf32, #tpu.memory_space<vmem_shared>>) offsets(%dma_start3A_179 : memref<128xi32, #tpu.memory_space<vmem>>) semaphore(%arg20 : memref<!tpu.dma_semaphore, #tpu.memory_space<semaphore_mem>>) {add = true}
        %scan3A_183 = arith.constant 0 : i32
        scf.yield %scan3A_183 : i32
      }
      %scan3A_58 = arith.constant 7 : i32
      %dma_wait3A = arith.constant 0 : i32
      %dma_wait3A_59 = arith.constant 0 : i32
      %dma_wait3A_60 = tpu.memref_slice %arg8[%dma_wait3A, %dma_wait3A_59] : memref<28x128xi32, #tpu.memory_space<vmem>> -> memref<1x128xi32, #tpu.memory_space<vmem>>
      %dma_wait3A_61 = tpu.memref_squeeze %dma_wait3A_60 : memref<1x128xi32, #tpu.memory_space<vmem>> -> memref<128xi32, #tpu.memory_space<vmem>>
      %dma_wait3A_62 = arith.constant 0 : i32
      %dma_wait3A_63 = arith.constant 0 : i32
      %dma_wait3A_64 = tpu.memref_slice %arg6[%dma_wait3A_62, %dma_wait3A_63] : memref<51200x32xf32, #tpu.memory_space<vmem_shared>> -> memref<51200x32xf32, #tpu.memory_space<vmem_shared>>
      tpu.wait_indirect_dma semaphore(%arg20 : memref<!tpu.dma_semaphore, #tpu.memory_space<semaphore_mem>>) src(%arg12 : memref<128x32xf32, #tpu.memory_space<vmem>>) dst(%dma_wait3A_64 : memref<51200x32xf32, #tpu.memory_space<vmem_shared>>)
      %scan3A_65 = arith.constant 0 : i32
      scf.yield %scan3A_65 : i32
    }
    %scan3A_20 = arith.constant 14 : i32
    %barrier3A_21 = arith.constant 0 : index
    tpu.barrier barrier_id(%barrier3A_21)
    %mul3A_22 = arith.constant 3200 : i32
    %mul3A_23 = arith.muli %arg1, %mul3A_22 : i32
    %mul3A_24 = arith.constant 3200 : i32
    %mul3A_25 = arith.muli %arg1, %mul3A_24 : i32
    "tpu.region"() ({
      %run_scoped3A = tpu.sem_alloc : memref<!tpu.dma_semaphore, #tpu.memory_space<semaphore_mem>>
      %dma_start3A = arith.constant 0 : i32
      %dma_start3A_26 = tpu.memref_slice %arg5[%arg0, %mul3A_25, %dma_start3A] : memref<2x51200x32xf32, #tpu.memory_space<hbm>> -> memref<1x3200x32xf32, #tpu.memory_space<hbm>>
      %dma_start3A_27 = tpu.memref_squeeze %dma_start3A_26 : memref<1x3200x32xf32, #tpu.memory_space<hbm>> -> memref<3200x32xf32, #tpu.memory_space<hbm>>
      %dma_start3A_28 = arith.constant 0 : i32
      %dma_start3A_29 = tpu.memref_slice %arg6[%mul3A_23, %dma_start3A_28] : memref<51200x32xf32, #tpu.memory_space<vmem_shared>> -> memref<3200x32xf32, #tpu.memory_space<vmem_shared>>
      tpu.enqueue_dma source(%dma_start3A_29 : memref<3200x32xf32, #tpu.memory_space<vmem_shared>>) target(%dma_start3A_27 : memref<3200x32xf32, #tpu.memory_space<hbm>>) target_semaphore(%run_scoped3A : memref<!tpu.dma_semaphore, #tpu.memory_space<semaphore_mem>>)
      %dma_wait3A = arith.constant 0 : i32
      %dma_wait3A_30 = tpu.memref_slice %arg5[%arg0, %mul3A_25, %dma_wait3A] : memref<2x51200x32xf32, #tpu.memory_space<hbm>> -> memref<1x3200x32xf32, #tpu.memory_space<hbm>>
      %dma_wait3A_31 = tpu.memref_squeeze %dma_wait3A_30 : memref<1x3200x32xf32, #tpu.memory_space<hbm>> -> memref<3200x32xf32, #tpu.memory_space<hbm>>
      %dma_wait3A_32 = arith.constant 0 : i32
      %dma_wait3A_33 = tpu.memref_slice %arg6[%mul3A_23, %dma_wait3A_32] : memref<51200x32xf32, #tpu.memory_space<vmem_shared>> -> memref<3200x32xf32, #tpu.memory_space<vmem_shared>>
      tpu.wait_dma2 semaphore(%run_scoped3A : memref<!tpu.dma_semaphore, #tpu.memory_space<semaphore_mem>>) src(%dma_wait3A_33 : memref<3200x32xf32, #tpu.memory_space<vmem_shared>>) dst(%dma_wait3A_31 : memref<3200x32xf32, #tpu.memory_space<hbm>>)
      tpu.yield
    }) : () -> ()
    return
  }
}

#map = affine_map<(d0, d1) -> (0, 0, 0)>
#map1 = affine_map<(d0, d1) -> (0, 0)>
module attributes {stable_mosaic.version = 14 : i64} {
  func.func @k(%arg0: i32, %arg1: i32, %arg2: memref<32x392x128xi32, #tpu.memory_space<hbm>>, %arg3: memref<2x51200xf32, #tpu.memory_space<hbm>>, %arg4: memref<51200xf32, #tpu.memory_space<vmem_shared>>, %arg5: memref<392x128xi32, #tpu.memory_space<vmem>>, %arg6: memref<128xf32, #tpu.memory_space<vmem>>, %arg7: memref<128xf32, #tpu.memory_space<vmem>>, %arg8: memref<!tpu.dma_semaphore, #tpu.memory_space<semaphore_mem>>) attributes {dimension_semantics = [#tpu.dimension_semantics<core_parallel>, #tpu.dimension_semantics<subcore_parallel>], iteration_bounds = array<i64: 2, 16>, scalar_prefetch = 0 : i64, scratch_operands = 5 : i64, tpu.core_type = #tpu.core_type<sc_vector_subcore>, window_params = [{transform_indices = #map}, {transform_indices = #map1}]} {
    %mul3A = arith.constant 16 : i32
    %mul3A_0 = arith.muli %arg0, %mul3A : i32
    %add3A = arith.addi %mul3A_0, %arg1 : i32
    %scan3A = arith.constant 0 : i32
    %scan3A_1 = arith.constant 0 : i32
    %scan3A_2 = arith.constant 8 : i32
    %scan3A_3 = arith.addi %scan3A_1, %scan3A_2 : i32
    %scan3A_4 = arith.constant 1 : i32
    %scan3A_5 = scf.for %scan3A_26 = %scan3A_1 to %scan3A_3 step %scan3A_4 iter_args(%scan3A_27 = %scan3A) -> (i32)  : i32 {
      %broadcast_in_dim3A = arith.constant 1.000000e+00 : f32
      %broadcast_in_dim3A_28 = vector.broadcast %broadcast_in_dim3A : f32 to vector<16xf32>
      %mul3A_29 = arith.constant 16 : i32
      %mul3A_30 = arith.muli %scan3A_26, %mul3A_29 : i32
      %swap3A = arith.index_cast %mul3A_30 : i32 to index
      %swap3A_31 = tpu.vector_load %arg6[%swap3A] {strides = array<i32>} : memref<128xf32, #tpu.memory_space<vmem>>, vector<16xf32>,
      %swap3A_32 = vector.shape_cast %swap3A_31 : vector<16xf32> to vector<16xf32>
      %swap3A_33 = vector.shape_cast %broadcast_in_dim3A_28 : vector<16xf32> to vector<16xf32>
      tpu.vector_store %arg6[%swap3A], %swap3A_33 {strides = array<i32>} : memref<128xf32, #tpu.memory_space<vmem>>, vector<16xf32>,
      %broadcast_in_dim3A_34 = arith.constant 0.000000e+00 : f32
      %broadcast_in_dim3A_35 = vector.broadcast %broadcast_in_dim3A_34 : f32 to vector<16xf32>
      %mul3A_36 = arith.constant 16 : i32
      %mul3A_37 = arith.muli %scan3A_26, %mul3A_36 : i32
      %swap3A_38 = arith.index_cast %mul3A_37 : i32 to index
      %swap3A_39 = tpu.vector_load %arg7[%swap3A_38] {strides = array<i32>} : memref<128xf32, #tpu.memory_space<vmem>>, vector<16xf32>,
      %swap3A_40 = vector.shape_cast %swap3A_39 : vector<16xf32> to vector<16xf32>
      %swap3A_41 = vector.shape_cast %broadcast_in_dim3A_35 : vector<16xf32> to vector<16xf32>
      tpu.vector_store %arg7[%swap3A_38], %swap3A_41 {strides = array<i32>} : memref<128xf32, #tpu.memory_space<vmem>>, vector<16xf32>,
      %scan3A_42 = arith.constant 0 : i32
      scf.yield %scan3A_42 : i32
    }
    %scan3A_6 = arith.constant 8 : i32
    %scan3A_7 = arith.constant 0 : i32
    %scan3A_8 = arith.constant 0 : i32
    %scan3A_9 = arith.constant 25 : i32
    %scan3A_10 = arith.addi %scan3A_8, %scan3A_9 : i32
    %scan3A_11 = arith.constant 1 : i32
    %scan3A_12 = scf.for %scan3A_26 = %scan3A_8 to %scan3A_10 step %scan3A_11 iter_args(%scan3A_27 = %scan3A_7) -> (i32)  : i32 {
      %mul3A_28 = arith.constant 3200 : i32
      %mul3A_29 = arith.muli %arg1, %mul3A_28 : i32
      %mul3A_30 = arith.constant 128 : i32
      %mul3A_31 = arith.muli %scan3A_26, %mul3A_30 : i32
      %add3A_32 = arith.addi %mul3A_29, %mul3A_31 : i32
      "tpu.region"() ({
        %run_scoped3A = tpu.sem_alloc : memref<!tpu.dma_semaphore, #tpu.memory_space<semaphore_mem>>
        %dma_start3A = tpu.memref_slice %arg4[%add3A_32] : memref<51200xf32, #tpu.memory_space<vmem_shared>> -> memref<128xf32, #tpu.memory_space<vmem_shared>>
        %dma_start3A_34 = tpu.memref_slice %arg4[%add3A_32] : memref<51200xf32, #tpu.memory_space<vmem_shared>> -> memref<128xf32, #tpu.memory_space<vmem_shared>>
        tpu.enqueue_dma source(%arg7 : memref<128xf32, #tpu.memory_space<vmem>>) target(%dma_start3A_34 : memref<128xf32, #tpu.memory_space<vmem_shared>>) target_semaphore(%run_scoped3A : memref<!tpu.dma_semaphore, #tpu.memory_space<semaphore_mem>>)
        %dma_wait3A = tpu.memref_slice %arg4[%add3A_32] : memref<51200xf32, #tpu.memory_space<vmem_shared>> -> memref<128xf32, #tpu.memory_space<vmem_shared>>
        %dma_wait3A_35 = tpu.memref_slice %arg4[%add3A_32] : memref<51200xf32, #tpu.memory_space<vmem_shared>> -> memref<128xf32, #tpu.memory_space<vmem_shared>>
        tpu.wait_dma2 semaphore(%run_scoped3A : memref<!tpu.dma_semaphore, #tpu.memory_space<semaphore_mem>>) src(%arg7 : memref<128xf32, #tpu.memory_space<vmem>>) dst(%dma_wait3A_35 : memref<128xf32, #tpu.memory_space<vmem_shared>>)
        tpu.yield
      }) : () -> ()
      %scan3A_33 = arith.constant 0 : i32
      scf.yield %scan3A_33 : i32
    }
    %scan3A_13 = arith.constant 25 : i32
    %barrier3A = arith.constant 0 : index
    tpu.barrier barrier_id(%barrier3A)
    "tpu.region"() ({
      %run_scoped3A = tpu.sem_alloc : memref<!tpu.dma_semaphore, #tpu.memory_space<semaphore_mem>>
      %dma_start3A = arith.constant 0 : i32
      %dma_start3A_26 = arith.constant 0 : i32
      %dma_start3A_27 = tpu.memref_slice %arg2[%add3A, %dma_start3A, %dma_start3A_26] : memref<32x392x128xi32, #tpu.memory_space<hbm>> -> memref<1x392x128xi32, #tpu.memory_space<hbm>>
      %dma_start3A_28 = tpu.memref_squeeze %dma_start3A_27 : memref<1x392x128xi32, #tpu.memory_space<hbm>> -> memref<392x128xi32, #tpu.memory_space<hbm>>
      %dma_start3A_29 = arith.constant 0 : i32
      %dma_start3A_30 = arith.constant 0 : i32
      %dma_start3A_31 = tpu.memref_slice %arg2[%add3A, %dma_start3A_29, %dma_start3A_30] : memref<32x392x128xi32, #tpu.memory_space<hbm>> -> memref<1x392x128xi32, #tpu.memory_space<hbm>>
      %dma_start3A_32 = tpu.memref_squeeze %dma_start3A_31 : memref<1x392x128xi32, #tpu.memory_space<hbm>> -> memref<392x128xi32, #tpu.memory_space<hbm>>
      tpu.enqueue_dma source(%dma_start3A_32 : memref<392x128xi32, #tpu.memory_space<hbm>>) target(%arg5 : memref<392x128xi32, #tpu.memory_space<vmem>>) target_semaphore(%run_scoped3A : memref<!tpu.dma_semaphore, #tpu.memory_space<semaphore_mem>>)
      %dma_wait3A = arith.constant 0 : i32
      %dma_wait3A_33 = arith.constant 0 : i32
      %dma_wait3A_34 = tpu.memref_slice %arg2[%add3A, %dma_wait3A, %dma_wait3A_33] : memref<32x392x128xi32, #tpu.memory_space<hbm>> -> memref<1x392x128xi32, #tpu.memory_space<hbm>>
      %dma_wait3A_35 = tpu.memref_squeeze %dma_wait3A_34 : memref<1x392x128xi32, #tpu.memory_space<hbm>> -> memref<392x128xi32, #tpu.memory_space<hbm>>
      %dma_wait3A_36 = arith.constant 0 : i32
      %dma_wait3A_37 = arith.constant 0 : i32
      %dma_wait3A_38 = tpu.memref_slice %arg2[%add3A, %dma_wait3A_36, %dma_wait3A_37] : memref<32x392x128xi32, #tpu.memory_space<hbm>> -> memref<1x392x128xi32, #tpu.memory_space<hbm>>
      %dma_wait3A_39 = tpu.memref_squeeze %dma_wait3A_38 : memref<1x392x128xi32, #tpu.memory_space<hbm>> -> memref<392x128xi32, #tpu.memory_space<hbm>>
      tpu.wait_dma2 semaphore(%run_scoped3A : memref<!tpu.dma_semaphore, #tpu.memory_space<semaphore_mem>>) src(%dma_wait3A_39 : memref<392x128xi32, #tpu.memory_space<hbm>>) dst(%arg5 : memref<392x128xi32, #tpu.memory_space<vmem>>)
      tpu.yield
    }) : () -> ()
    %scan3A_14 = arith.constant 0 : i32
    %scan3A_15 = arith.constant 0 : i32
    %scan3A_16 = arith.constant 392 : i32
    %scan3A_17 = arith.addi %scan3A_15, %scan3A_16 : i32
    %scan3A_18 = arith.constant 1 : i32
    %scan3A_19 = scf.for %scan3A_26 = %scan3A_15 to %scan3A_17 step %scan3A_18 iter_args(%scan3A_27 = %scan3A_14) -> (i32)  : i32 {
      "tpu.region"() ({
        %run_scoped3A = tpu.sem_alloc : memref<!tpu.dma_semaphore, #tpu.memory_space<semaphore_mem>>
        %dma_start3A = arith.constant 0 : i32
        %dma_start3A_29 = tpu.memref_slice %arg5[%scan3A_26, %dma_start3A] : memref<392x128xi32, #tpu.memory_space<vmem>> -> memref<1x128xi32, #tpu.memory_space<vmem>>
        %dma_start3A_30 = tpu.memref_squeeze %dma_start3A_29 : memref<1x128xi32, #tpu.memory_space<vmem>> -> memref<128xi32, #tpu.memory_space<vmem>>
        %dma_start3A_31 = arith.constant 0 : i32
        %dma_start3A_32 = tpu.memref_slice %arg4[%dma_start3A_31] : memref<51200xf32, #tpu.memory_space<vmem_shared>> -> memref<51200xf32, #tpu.memory_space<vmem_shared>>
        tpu.enqueue_indirect_dma source(%arg6 : memref<128xf32, #tpu.memory_space<vmem>>) target(%dma_start3A_32 : memref<51200xf32, #tpu.memory_space<vmem_shared>>) offsets(%dma_start3A_30 : memref<128xi32, #tpu.memory_space<vmem>>) semaphore(%run_scoped3A : memref<!tpu.dma_semaphore, #tpu.memory_space<semaphore_mem>>) {add = true}
        %dma_wait3A = arith.constant 0 : i32
        %dma_wait3A_33 = tpu.memref_slice %arg5[%scan3A_26, %dma_wait3A] : memref<392x128xi32, #tpu.memory_space<vmem>> -> memref<1x128xi32, #tpu.memory_space<vmem>>
        %dma_wait3A_34 = tpu.memref_squeeze %dma_wait3A_33 : memref<1x128xi32, #tpu.memory_space<vmem>> -> memref<128xi32, #tpu.memory_space<vmem>>
        %dma_wait3A_35 = arith.constant 0 : i32
        %dma_wait3A_36 = tpu.memref_slice %arg4[%dma_wait3A_35] : memref<51200xf32, #tpu.memory_space<vmem_shared>> -> memref<51200xf32, #tpu.memory_space<vmem_shared>>
        tpu.wait_indirect_dma semaphore(%run_scoped3A : memref<!tpu.dma_semaphore, #tpu.memory_space<semaphore_mem>>) src(%arg6 : memref<128xf32, #tpu.memory_space<vmem>>) dst(%dma_wait3A_36 : memref<51200xf32, #tpu.memory_space<vmem_shared>>)
        tpu.yield
      }) : () -> ()
      %scan3A_28 = arith.constant 0 : i32
      scf.yield %scan3A_28 : i32
    }
    %scan3A_20 = arith.constant 392 : i32
    %barrier3A_21 = arith.constant 0 : index
    tpu.barrier barrier_id(%barrier3A_21)
    %mul3A_22 = arith.constant 3200 : i32
    %mul3A_23 = arith.muli %arg1, %mul3A_22 : i32
    %mul3A_24 = arith.constant 3200 : i32
    %mul3A_25 = arith.muli %arg1, %mul3A_24 : i32
    "tpu.region"() ({
      %run_scoped3A = tpu.sem_alloc : memref<!tpu.dma_semaphore, #tpu.memory_space<semaphore_mem>>
      %dma_start3A = tpu.memref_slice %arg3[%arg0, %mul3A_25] : memref<2x51200xf32, #tpu.memory_space<hbm>> -> memref<1x3200xf32, #tpu.memory_space<hbm>>
      %dma_start3A_26 = tpu.memref_squeeze %dma_start3A : memref<1x3200xf32, #tpu.memory_space<hbm>> -> memref<3200xf32, #tpu.memory_space<hbm>>
      %dma_start3A_27 = tpu.memref_slice %arg4[%mul3A_23] : memref<51200xf32, #tpu.memory_space<vmem_shared>> -> memref<3200xf32, #tpu.memory_space<vmem_shared>>
      tpu.enqueue_dma source(%dma_start3A_27 : memref<3200xf32, #tpu.memory_space<vmem_shared>>) target(%dma_start3A_26 : memref<3200xf32, #tpu.memory_space<hbm>>) target_semaphore(%run_scoped3A : memref<!tpu.dma_semaphore, #tpu.memory_space<semaphore_mem>>)
      %dma_wait3A = tpu.memref_slice %arg3[%arg0, %mul3A_25] : memref<2x51200xf32, #tpu.memory_space<hbm>> -> memref<1x3200xf32, #tpu.memory_space<hbm>>
      %dma_wait3A_28 = tpu.memref_squeeze %dma_wait3A : memref<1x3200xf32, #tpu.memory_space<hbm>> -> memref<3200xf32, #tpu.memory_space<hbm>>
      %dma_wait3A_29 = tpu.memref_slice %arg4[%mul3A_23] : memref<51200xf32, #tpu.memory_space<vmem_shared>> -> memref<3200xf32, #tpu.memory_space<vmem_shared>>
      tpu.wait_dma2 semaphore(%run_scoped3A : memref<!tpu.dma_semaphore, #tpu.memory_space<semaphore_mem>>) src(%dma_wait3A_29 : memref<3200xf32, #tpu.memory_space<vmem_shared>>) dst(%dma_wait3A_28 : memref<3200xf32, #tpu.memory_space<hbm>>)
      tpu.yield
    }) : () -> ()
    return
  }
}

module attributes {stable_mosaic.version = 14 : i64} {
  func.func @body(%arg0: i32, %arg1: memref<2048x47xf32, #tpu.memory_space<vmem>>, %arg2: memref<47x16xf32, #tpu.memory_space<vmem>>, %arg3: memref<2x2048xf32, #tpu.memory_space<vmem>>, %arg4: memref<2048x16xf32, #tpu.memory_space<vmem>>) attributes {dimension_semantics = [#tpu.dimension_semantics<arbitrary>], iteration_bounds = array<i64: 25>, scalar_prefetch = 0 : i64, scratch_operands = 0 : i64, tpu.core_type = #tpu.core_type<tc>, window_params = [{transform_indices = @transform_0, window_bounds = array<i64: 2048, 47>}, {pipeline_mode = #tpu.pipeline_mode<synchronous>, transform_indices = @transform_1, window_bounds = array<i64: 47, 16>}, {transform_indices = @transform_2, window_bounds = array<i64: 2, 2048>}, {transform_indices = @transform_3, window_bounds = array<i64: 2048, 16>}]} {
    %get3A = arith.constant 0 : index
    %get3A_0 = arith.constant 0 : index
    %get3A_1 = vector.load %arg3[%get3A, %get3A_0] : memref<2x2048xf32, #tpu.memory_space<vmem>>, vector<1x2048xf32>
    %get3A_2 = vector.shape_cast %get3A_1 : vector<1x2048xf32> to vector<2048xf32>
    %get3A_3 = arith.constant 1 : index
    %get3A_4 = arith.constant 0 : index
    %get3A_5 = vector.load %arg3[%get3A_3, %get3A_4] : memref<2x2048xf32, #tpu.memory_space<vmem>>, vector<1x2048xf32>
    %get3A_6 = vector.shape_cast %get3A_5 : vector<1x2048xf32> to vector<2048xf32>
    %add3A = arith.addf %get3A_2, %get3A_6 : vector<2048xf32>
    %add3A_7 = arith.constant 1.000000e+00 : f32
    %add3A_8 = vector.broadcast %add3A_7 : f32 to vector<2048xf32>
    %add3A_9 = arith.addf %add3A, %add3A_8 : vector<2048xf32>
    %rsqrt3A = math.rsqrt %add3A_9 : vector<2048xf32>
    %mul3A = arith.constant 5.000000e-01 : f32
    %mul3A_10 = vector.broadcast %mul3A : f32 to vector<2048xf32>
    %mul3A_11 = arith.mulf %mul3A_10, %add3A_9 : vector<2048xf32>
    %mul3A_12 = arith.mulf %mul3A_11, %rsqrt3A : vector<2048xf32>
    %mul3A_13 = arith.mulf %mul3A_12, %rsqrt3A : vector<2048xf32>
    %sub3A = arith.constant 1.500000e+00 : f32
    %sub3A_14 = vector.broadcast %sub3A : f32 to vector<2048xf32>
    %sub3A_15 = arith.subf %sub3A_14, %mul3A_13 : vector<2048xf32>
    %mul3A_16 = arith.mulf %rsqrt3A, %sub3A_15 : vector<2048xf32>
    %broadcast_in_dim3A = vector.shape_cast %mul3A_16 : vector<2048xf32> to vector<2048x1xf32>
    %get3A_17 = arith.constant 0 : index
    %get3A_18 = arith.constant 0 : index
    %get3A_19 = vector.load %arg1[%get3A_17, %get3A_18] : memref<2048x47xf32, #tpu.memory_space<vmem>>, vector<2048x47xf32>
    %get3A_20 = arith.constant 0 : index
    %get3A_21 = arith.constant 0 : index
    %get3A_22 = vector.load %arg2[%get3A_20, %get3A_21] : memref<47x16xf32, #tpu.memory_space<vmem>>, vector<47x16xf32>
    %dot_general3A = arith.constant dense<0.000000e+00> : vector<2048x16xf32>
    %dot_general3A_23 = tpu.matmul %get3A_19, %get3A_22, %dot_general3A {dimension_numbers = #tpu.dot_dimension_numbers<[1], [0], [0], [1], [0, 0, 1, 1], [], []>, precision = #tpu.contract_precision<fp32>, transpose_lhs_hint = false} : vector<2048x47xf32>, vector<47x16xf32>, vector<2048x16xf32> -> vector<2048x16xf32>
    %mul3A_24 = vector.broadcast %broadcast_in_dim3A : vector<2048x1xf32> to vector<2048x16xf32>
    %mul3A_25 = arith.mulf %dot_general3A_23, %mul3A_24 : vector<2048x16xf32>
    %swap3A = arith.constant 0 : index
    %swap3A_26 = arith.constant 0 : index
    %swap3A_27 = vector.load %arg4[%swap3A, %swap3A_26] : memref<2048x16xf32, #tpu.memory_space<vmem>>, vector<2048x16xf32>
    tpu.vector_store %arg4[%swap3A, %swap3A_26], %mul3A_25 {strides = array<i32>} : memref<2048x16xf32, #tpu.memory_space<vmem>>, vector<2048x16xf32>,
    return
  }
  func.func @transform_0(%arg0: i32) -> (i32, i32) {
    %c0_i32 = arith.constant 0 : i32
    %c0_i32_0 = arith.constant 0 : i32
    return %arg0, %c0_i32 : i32, i32
  }
  func.func @transform_1(%arg0: i32) -> (i32, i32) {
    %c0_i32 = arith.constant 0 : i32
    %c0_i32_0 = arith.constant 0 : i32
    %c0_i32_1 = arith.constant 0 : i32
    return %c0_i32, %c0_i32_0 : i32, i32
  }
  func.func @transform_2(%arg0: i32) -> (i32, i32) {
    %c0_i32 = arith.constant 0 : i32
    %c0_i32_0 = arith.constant 0 : i32
    return %c0_i32, %arg0 : i32, i32
  }
  func.func @transform_3(%arg0: i32) -> (i32, i32) {
    %c0_i32 = arith.constant 0 : i32
    %c0_i32_0 = arith.constant 0 : i32
    return %arg0, %c0_i32 : i32, i32
  }
}

module attributes {stable_mosaic.version = 14 : i64} {
  func.func @body(%arg0: i32, %arg1: memref<2x2048x16xf32, #tpu.memory_space<vmem>>, %arg2: memref<2048x16xf32, #tpu.memory_space<vmem>>, %arg3: memref<2x2048xf32, #tpu.memory_space<vmem>>, %arg4: memref<1x16xf32, #tpu.memory_space<vmem>>, %arg5: memref<16x32xf32, #tpu.memory_space<vmem>>, %arg6: memref<2048x32xf32, #tpu.memory_space<vmem>>) attributes {dimension_semantics = [#tpu.dimension_semantics<arbitrary>], iteration_bounds = array<i64: 25>, scalar_prefetch = 0 : i64, scratch_operands = 0 : i64, tpu.core_type = #tpu.core_type<tc>, window_params = [{transform_indices = @transform_0, window_bounds = array<i64: 2, 2048, 16>}, {transform_indices = @transform_1, window_bounds = array<i64: 2048, 16>}, {transform_indices = @transform_2, window_bounds = array<i64: 2, 2048>}, {pipeline_mode = #tpu.pipeline_mode<synchronous>, transform_indices = @transform_3, window_bounds = array<i64: 1, 16>}, {pipeline_mode = #tpu.pipeline_mode<synchronous>, transform_indices = @transform_4, window_bounds = array<i64: 16, 32>}, {transform_indices = @transform_5, window_bounds = array<i64: 2048, 32>}]} {
    %get3A = arith.constant 0 : index
    %get3A_0 = arith.constant 0 : index
    %get3A_1 = vector.load %arg3[%get3A, %get3A_0] : memref<2x2048xf32, #tpu.memory_space<vmem>>, vector<1x2048xf32>
    %get3A_2 = vector.shape_cast %get3A_1 : vector<1x2048xf32> to vector<2048xf32>
    %get3A_3 = arith.constant 1 : index
    %get3A_4 = arith.constant 0 : index
    %get3A_5 = vector.load %arg3[%get3A_3, %get3A_4] : memref<2x2048xf32, #tpu.memory_space<vmem>>, vector<1x2048xf32>
    %get3A_6 = vector.shape_cast %get3A_5 : vector<1x2048xf32> to vector<2048xf32>
    %add3A = arith.addf %get3A_2, %get3A_6 : vector<2048xf32>
    %add3A_7 = arith.constant 1.000000e+00 : f32
    %add3A_8 = vector.broadcast %add3A_7 : f32 to vector<2048xf32>
    %add3A_9 = arith.addf %add3A, %add3A_8 : vector<2048xf32>
    %rsqrt3A = math.rsqrt %add3A_9 : vector<2048xf32>
    %mul3A = arith.constant 5.000000e-01 : f32
    %mul3A_10 = vector.broadcast %mul3A : f32 to vector<2048xf32>
    %mul3A_11 = arith.mulf %mul3A_10, %add3A_9 : vector<2048xf32>
    %mul3A_12 = arith.mulf %mul3A_11, %rsqrt3A : vector<2048xf32>
    %mul3A_13 = arith.mulf %mul3A_12, %rsqrt3A : vector<2048xf32>
    %sub3A = arith.constant 1.500000e+00 : f32
    %sub3A_14 = vector.broadcast %sub3A : f32 to vector<2048xf32>
    %sub3A_15 = arith.subf %sub3A_14, %mul3A_13 : vector<2048xf32>
    %mul3A_16 = arith.mulf %rsqrt3A, %sub3A_15 : vector<2048xf32>
    %broadcast_in_dim3A = vector.shape_cast %mul3A_16 : vector<2048xf32> to vector<2048x1xf32>
    %get3A_17 = arith.constant 0 : index
    %get3A_18 = arith.constant 0 : index
    %get3A_19 = arith.constant 0 : index
    %get3A_20 = vector.load %arg1[%get3A_17, %get3A_18, %get3A_19] : memref<2x2048x16xf32, #tpu.memory_space<vmem>>, vector<1x2048x16xf32>
    %get3A_21 = vector.shape_cast %get3A_20 : vector<1x2048x16xf32> to vector<2048x16xf32>
    %get3A_22 = arith.constant 1 : index
    %get3A_23 = arith.constant 0 : index
    %get3A_24 = arith.constant 0 : index
    %get3A_25 = vector.load %arg1[%get3A_22, %get3A_23, %get3A_24] : memref<2x2048x16xf32, #tpu.memory_space<vmem>>, vector<1x2048x16xf32>
    %get3A_26 = vector.shape_cast %get3A_25 : vector<1x2048x16xf32> to vector<2048x16xf32>
    %add3A_27 = arith.addf %get3A_21, %get3A_26 : vector<2048x16xf32>
    %get3A_28 = arith.constant 0 : index
    %get3A_29 = arith.constant 0 : index
    %get3A_30 = vector.load %arg2[%get3A_28, %get3A_29] : memref<2048x16xf32, #tpu.memory_space<vmem>>, vector<2048x16xf32>
    %add3A_31 = arith.addf %add3A_27, %get3A_30 : vector<2048x16xf32>
    %mul3A_32 = vector.broadcast %broadcast_in_dim3A : vector<2048x1xf32> to vector<2048x16xf32>
    %mul3A_33 = arith.mulf %mul3A_32, %add3A_31 : vector<2048x16xf32>
    %get3A_34 = arith.constant 0 : index
    %get3A_35 = arith.constant 0 : index
    %get3A_36 = vector.load %arg4[%get3A_34, %get3A_35] : memref<1x16xf32, #tpu.memory_space<vmem>>, vector<1x16xf32>
    %add3A_37 = vector.broadcast %get3A_36 : vector<1x16xf32> to vector<2048x16xf32>
    %add3A_38 = arith.addf %mul3A_33, %add3A_37 : vector<2048x16xf32>
    %max3A = arith.constant 0.000000e+00 : f32
    %max3A_39 = vector.broadcast %max3A : f32 to vector<2048x16xf32>
    %max3A_40 = arith.maximumf %add3A_38, %max3A_39 : vector<2048x16xf32>
    %get3A_41 = arith.constant 0 : index
    %get3A_42 = arith.constant 0 : index
    %get3A_43 = vector.load %arg5[%get3A_41, %get3A_42] : memref<16x32xf32, #tpu.memory_space<vmem>>, vector<16x32xf32>
    %dot_general3A = arith.constant dense<0.000000e+00> : vector<2048x32xf32>
    %dot_general3A_44 = tpu.matmul %max3A_40, %get3A_43, %dot_general3A {dimension_numbers = #tpu.dot_dimension_numbers<[1], [0], [0], [1], [0, 0, 1, 1], [], []>, precision = #tpu.contract_precision<fp32>, transpose_lhs_hint = false} : vector<2048x16xf32>, vector<16x32xf32>, vector<2048x32xf32> -> vector<2048x32xf32>
    %mul3A_45 = vector.broadcast %broadcast_in_dim3A : vector<2048x1xf32> to vector<2048x32xf32>
    %mul3A_46 = arith.mulf %dot_general3A_44, %mul3A_45 : vector<2048x32xf32>
    %swap3A = arith.constant 0 : index
    %swap3A_47 = arith.constant 0 : index
    %swap3A_48 = vector.load %arg6[%swap3A, %swap3A_47] : memref<2048x32xf32, #tpu.memory_space<vmem>>, vector<2048x32xf32>
    tpu.vector_store %arg6[%swap3A, %swap3A_47], %mul3A_46 {strides = array<i32>} : memref<2048x32xf32, #tpu.memory_space<vmem>>, vector<2048x32xf32>,
    return
  }
  func.func @transform_0(%arg0: i32) -> (i32, i32, i32) {
    %c0_i32 = arith.constant 0 : i32
    %c0_i32_0 = arith.constant 0 : i32
    %c0_i32_1 = arith.constant 0 : i32
    return %c0_i32, %arg0, %c0_i32_0 : i32, i32, i32
  }
  func.func @transform_1(%arg0: i32) -> (i32, i32) {
    %c0_i32 = arith.constant 0 : i32
    %c0_i32_0 = arith.constant 0 : i32
    return %arg0, %c0_i32 : i32, i32
  }
  func.func @transform_2(%arg0: i32) -> (i32, i32) {
    %c0_i32 = arith.constant 0 : i32
    %c0_i32_0 = arith.constant 0 : i32
    return %c0_i32, %arg0 : i32, i32
  }
  func.func @transform_3(%arg0: i32) -> (i32, i32) {
    %c0_i32 = arith.constant 0 : i32
    %c0_i32_0 = arith.constant 0 : i32
    %c0_i32_1 = arith.constant 0 : i32
    return %c0_i32, %c0_i32_0 : i32, i32
  }
  func.func @transform_4(%arg0: i32) -> (i32, i32) {
    %c0_i32 = arith.constant 0 : i32
    %c0_i32_0 = arith.constant 0 : i32
    %c0_i32_1 = arith.constant 0 : i32
    return %c0_i32, %c0_i32_0 : i32, i32
  }
  func.func @transform_5(%arg0: i32) -> (i32, i32) {
    %c0_i32 = arith.constant 0 : i32
    %c0_i32_0 = arith.constant 0 : i32
    return %arg0, %c0_i32 : i32, i32
  }
}

module attributes {stable_mosaic.version = 14 : i64} {
  func.func @body(%arg0: i32, %arg1: memref<2x2048x32xf32, #tpu.memory_space<vmem>>, %arg2: memref<2048x32xf32, #tpu.memory_space<vmem>>, %arg3: memref<2x2048xf32, #tpu.memory_space<vmem>>, %arg4: memref<1x32xf32, #tpu.memory_space<vmem>>, %arg5: memref<2048x1xi32, #tpu.memory_space<vmem>>, %arg6: memref<32x32xf32, #tpu.memory_space<vmem>>, %arg7: memref<1x32xf32, #tpu.memory_space<vmem>>, %arg8: memref<32x16xf32, #tpu.memory_space<vmem>>, %arg9: memref<1x16xf32, #tpu.memory_space<vmem>>, %arg10: memref<16x8xf32, #tpu.memory_space<vmem>>, %arg11: memref<1x8xf32, #tpu.memory_space<vmem>>, %arg12: memref<8x1xf32, #tpu.memory_space<vmem>>, %arg13: memref<1x1xf32, #tpu.memory_space<vmem>>, %arg14: memref<512x1xf32, #tpu.memory_space<vmem>>, %arg15: memref<512x32xf32, #tpu.memory_space<vmem>>, %arg16: memref<512x1xf32, #tpu.memory_space<vmem>>) attributes {dimension_semantics = [#tpu.dimension_semantics<arbitrary>], iteration_bounds = array<i64: 25>, scalar_prefetch = 0 : i64, scratch_operands = 2 : i64, tpu.core_type = #tpu.core_type<tc>, window_params = [{transform_indices = @transform_0, window_bounds = array<i64: 2, 2048, 32>}, {transform_indices = @transform_1, window_bounds = array<i64: 2048, 32>}, {transform_indices = @transform_2, window_bounds = array<i64: 2, 2048>}, {pipeline_mode = #tpu.pipeline_mode<synchronous>, transform_indices = @transform_3, window_bounds = array<i64: 1, 32>}, {transform_indices = @transform_4, window_bounds = array<i64: 2048, 1>}, {pipeline_mode = #tpu.pipeline_mode<synchronous>, transform_indices = @transform_5, window_bounds = array<i64: 32, 32>}, {pipeline_mode = #tpu.pipeline_mode<synchronous>, transform_indices = @transform_6, window_bounds = array<i64: 1, 32>}, {pipeline_mode = #tpu.pipeline_mode<synchronous>, transform_indices = @transform_7, window_bounds = array<i64: 32, 16>}, {pipeline_mode = #tpu.pipeline_mode<synchronous>, transform_indices = @transform_8, window_bounds = array<i64: 1, 16>}, {pipeline_mode = #tpu.pipeline_mode<synchronous>, transform_indices = @transform_9, window_bounds = array<i64: 16, 8>}, {pipeline_mode = #tpu.pipeline_mode<synchronous>, transform_indices = @transform_10, window_bounds = array<i64: 1, 8>}, {pipeline_mode = #tpu.pipeline_mode<synchronous>, transform_indices = @transform_11, window_bounds = array<i64: 8, 1>}, {pipeline_mode = #tpu.pipeline_mode<synchronous>, transform_indices = @transform_12, window_bounds = array<i64: 1, 1>}, {pipeline_mode = #tpu.pipeline_mode<synchronous>, transform_indices = @transform_13, window_bounds = array<i64: 512, 1>}]} {
    %get3A = arith.constant 0 : index
    %get3A_0 = arith.constant 0 : index
    %get3A_1 = vector.load %arg3[%get3A, %get3A_0] : memref<2x2048xf32, #tpu.memory_space<vmem>>, vector<1x2048xf32>
    %get3A_2 = vector.shape_cast %get3A_1 : vector<1x2048xf32> to vector<2048xf32>
    %get3A_3 = arith.constant 1 : index
    %get3A_4 = arith.constant 0 : index
    %get3A_5 = vector.load %arg3[%get3A_3, %get3A_4] : memref<2x2048xf32, #tpu.memory_space<vmem>>, vector<1x2048xf32>
    %get3A_6 = vector.shape_cast %get3A_5 : vector<1x2048xf32> to vector<2048xf32>
    %add3A = arith.addf %get3A_2, %get3A_6 : vector<2048xf32>
    %add3A_7 = arith.constant 1.000000e+00 : f32
    %add3A_8 = vector.broadcast %add3A_7 : f32 to vector<2048xf32>
    %add3A_9 = arith.addf %add3A, %add3A_8 : vector<2048xf32>
    %rsqrt3A = math.rsqrt %add3A_9 : vector<2048xf32>
    %mul3A = arith.constant 5.000000e-01 : f32
    %mul3A_10 = vector.broadcast %mul3A : f32 to vector<2048xf32>
    %mul3A_11 = arith.mulf %mul3A_10, %add3A_9 : vector<2048xf32>
    %mul3A_12 = arith.mulf %mul3A_11, %rsqrt3A : vector<2048xf32>
    %mul3A_13 = arith.mulf %mul3A_12, %rsqrt3A : vector<2048xf32>
    %sub3A = arith.constant 1.500000e+00 : f32
    %sub3A_14 = vector.broadcast %sub3A : f32 to vector<2048xf32>
    %sub3A_15 = arith.subf %sub3A_14, %mul3A_13 : vector<2048xf32>
    %mul3A_16 = arith.mulf %rsqrt3A, %sub3A_15 : vector<2048xf32>
    %broadcast_in_dim3A = vector.shape_cast %mul3A_16 : vector<2048xf32> to vector<2048x1xf32>
    %get3A_17 = arith.constant 0 : index
    %get3A_18 = arith.constant 0 : index
    %get3A_19 = arith.constant 0 : index
    %get3A_20 = vector.load %arg1[%get3A_17, %get3A_18, %get3A_19] : memref<2x2048x32xf32, #tpu.memory_space<vmem>>, vector<1x2048x32xf32>
    %get3A_21 = vector.shape_cast %get3A_20 : vector<1x2048x32xf32> to vector<2048x32xf32>
    %get3A_22 = arith.constant 1 : index
    %get3A_23 = arith.constant 0 : index
    %get3A_24 = arith.constant 0 : index
    %get3A_25 = vector.load %arg1[%get3A_22, %get3A_23, %get3A_24] : memref<2x2048x32xf32, #tpu.memory_space<vmem>>, vector<1x2048x32xf32>
    %get3A_26 = vector.shape_cast %get3A_25 : vector<1x2048x32xf32> to vector<2048x32xf32>
    %add3A_27 = arith.addf %get3A_21, %get3A_26 : vector<2048x32xf32>
    %get3A_28 = arith.constant 0 : index
    %get3A_29 = arith.constant 0 : index
    %get3A_30 = vector.load %arg2[%get3A_28, %get3A_29] : memref<2048x32xf32, #tpu.memory_space<vmem>>, vector<2048x32xf32>
    %add3A_31 = arith.addf %add3A_27, %get3A_30 : vector<2048x32xf32>
    %mul3A_32 = vector.broadcast %broadcast_in_dim3A : vector<2048x1xf32> to vector<2048x32xf32>
    %mul3A_33 = arith.mulf %mul3A_32, %add3A_31 : vector<2048x32xf32>
    %get3A_34 = arith.constant 0 : index
    %get3A_35 = arith.constant 0 : index
    %get3A_36 = vector.load %arg4[%get3A_34, %get3A_35] : memref<1x32xf32, #tpu.memory_space<vmem>>, vector<1x32xf32>
    %add3A_37 = vector.broadcast %get3A_36 : vector<1x32xf32> to vector<2048x32xf32>
    %add3A_38 = arith.addf %mul3A_33, %add3A_37 : vector<2048x32xf32>
    %max3A = arith.constant 0.000000e+00 : f32
    %max3A_39 = vector.broadcast %max3A : f32 to vector<2048x32xf32>
    %max3A_40 = arith.maximumf %add3A_38, %max3A_39 : vector<2048x32xf32>
    %iota3A = tpu.iota {dimensions = array<i32: 1>} : vector<1x512xi32>
    %get3A_41 = arith.constant 0 : index
    %get3A_42 = arith.constant 0 : index
    %get3A_43 = vector.load %arg5[%get3A_41, %get3A_42] : memref<2048x1xi32, #tpu.memory_space<vmem>>, vector<2048x1xi32>
    %eq3A = vector.broadcast %get3A_43 : vector<2048x1xi32> to vector<2048x512xi32>
    %eq3A_44 = vector.broadcast %iota3A : vector<1x512xi32> to vector<2048x512xi32>
    %eq3A_45 = arith.cmpi eq, %eq3A, %eq3A_44 : vector<2048x512xi32>
    %convert_element_type3A = arith.extui %eq3A_45 : vector<2048x512xi1> to vector<2048x512xi32>
    %convert_element_type3A_46 = arith.sitofp %convert_element_type3A : vector<2048x512xi32> to vector<2048x512xf32>
    %dot_general3A = arith.constant dense<0.000000e+00> : vector<512x32xf32>
    %dot_general3A_47 = tpu.matmul %convert_element_type3A_46, %max3A_40, %dot_general3A {dimension_numbers = #tpu.dot_dimension_numbers<[0], [0], [1], [1], [0, 1, 1, 1], [], []>, precision = #tpu.contract_precision<fp32>, transpose_lhs_hint = false} : vector<2048x512xf32>, vector<2048x32xf32>, vector<512x32xf32> -> vector<512x32xf32>
    %broadcast_in_dim3A_48 = arith.constant 1.000000e+00 : f32
    %broadcast_in_dim3A_49 = vector.broadcast %broadcast_in_dim3A_48 : f32 to vector<2048x1xf32>
    %dot_general3A_50 = arith.constant dense<0.000000e+00> : vector<512x1xf32>
    %dot_general3A_51 = tpu.matmul %convert_element_type3A_46, %broadcast_in_dim3A_49, %dot_general3A_50 {dimension_numbers = #tpu.dot_dimension_numbers<[0], [0], [1], [1], [0, 1, 1, 1], [], []>, precision = #tpu.contract_precision<fp32>, transpose_lhs_hint = false} : vector<2048x512xf32>, vector<2048x1xf32>, vector<512x1xf32> -> vector<512x1xf32>
    %eq3A_52 = arith.constant 0 : i32
    %eq3A_53 = arith.cmpi eq, %arg0, %eq3A_52 : i32
    %convert_element_type3A_54 = arith.extui %eq3A_53 : i1 to i32
    %cond3A = arith.constant 0 : i32
    %cond3A_55 = arith.cmpi ne, %convert_element_type3A_54, %cond3A : i32
    scf.if %cond3A_55 {
      %swap3A = arith.constant 0 : index
      %swap3A_65 = arith.constant 0 : index
      %swap3A_66 = vector.load %arg15[%swap3A, %swap3A_65] : memref<512x32xf32, #tpu.memory_space<vmem>>, vector<512x32xf32>
      tpu.vector_store %arg15[%swap3A, %swap3A_65], %dot_general3A_47 {strides = array<i32>} : memref<512x32xf32, #tpu.memory_space<vmem>>, vector<512x32xf32>,
      %swap3A_67 = arith.constant 0 : index
      %swap3A_68 = arith.constant 0 : index
      %swap3A_69 = vector.load %arg16[%swap3A_67, %swap3A_68] : memref<512x1xf32, #tpu.memory_space<vmem>>, vector<512x1xf32>
      tpu.vector_store %arg16[%swap3A_67, %swap3A_68], %dot_general3A_51 {strides = array<i32>} : memref<512x1xf32, #tpu.memory_space<vmem>>, vector<512x1xf32>,
    } else {
    }
    %gt3A = arith.constant 0 : i32
    %gt3A_56 = arith.cmpi sgt, %arg0, %gt3A : i32
    %convert_element_type3A_57 = arith.extui %gt3A_56 : i1 to i32
    %cond3A_58 = arith.constant 0 : i32
    %cond3A_59 = arith.cmpi ne, %convert_element_type3A_57, %cond3A_58 : i32
    scf.if %cond3A_59 {
      %get3A_65 = arith.constant 0 : index
      %get3A_66 = arith.constant 0 : index
      %get3A_67 = vector.load %arg15[%get3A_65, %get3A_66] : memref<512x32xf32, #tpu.memory_space<vmem>>, vector<512x32xf32>
      %add3A_68 = arith.addf %get3A_67, %dot_general3A_47 : vector<512x32xf32>
      %swap3A = arith.constant 0 : index
      %swap3A_69 = arith.constant 0 : index
      %swap3A_70 = vector.load %arg15[%swap3A, %swap3A_69] : memref<512x32xf32, #tpu.memory_space<vmem>>, vector<512x32xf32>
      tpu.vector_store %arg15[%swap3A, %swap3A_69], %add3A_68 {strides = array<i32>} : memref<512x32xf32, #tpu.memory_space<vmem>>, vector<512x32xf32>,
      %get3A_71 = arith.constant 0 : index
      %get3A_72 = arith.constant 0 : index
      %get3A_73 = vector.load %arg16[%get3A_71, %get3A_72] : memref<512x1xf32, #tpu.memory_space<vmem>>, vector<512x1xf32>
      %add3A_74 = arith.addf %get3A_73, %dot_general3A_51 : vector<512x1xf32>
      %swap3A_75 = arith.constant 0 : index
      %swap3A_76 = arith.constant 0 : index
      %swap3A_77 = vector.load %arg16[%swap3A_75, %swap3A_76] : memref<512x1xf32, #tpu.memory_space<vmem>>, vector<512x1xf32>
      tpu.vector_store %arg16[%swap3A_75, %swap3A_76], %add3A_74 {strides = array<i32>} : memref<512x1xf32, #tpu.memory_space<vmem>>, vector<512x1xf32>,
    } else {
    }
    %eq3A_60 = arith.constant 24 : i32
    %eq3A_61 = arith.cmpi eq, %arg0, %eq3A_60 : i32
    %convert_element_type3A_62 = arith.extui %eq3A_61 : i1 to i32
    %cond3A_63 = arith.constant 0 : i32
    %cond3A_64 = arith.cmpi ne, %convert_element_type3A_62, %cond3A_63 : i32
    scf.if %cond3A_64 {
      %get3A_65 = arith.constant 0 : index
      %get3A_66 = arith.constant 0 : index
      %get3A_67 = vector.load %arg15[%get3A_65, %get3A_66] : memref<512x32xf32, #tpu.memory_space<vmem>>, vector<512x32xf32>
      %get3A_68 = arith.constant 0 : index
      %get3A_69 = arith.constant 0 : index
      %get3A_70 = vector.load %arg16[%get3A_68, %get3A_69] : memref<512x1xf32, #tpu.memory_space<vmem>>, vector<512x1xf32>
      %max3A_71 = arith.constant 1.000000e+00 : f32
      %max3A_72 = vector.broadcast %max3A_71 : f32 to vector<512x1xf32>
      %max3A_73 = arith.maximumf %get3A_70, %max3A_72 : vector<512x1xf32>
      %div3A = vector.broadcast %max3A_73 : vector<512x1xf32> to vector<512x32xf32>
      %div3A_74 = arith.divf %get3A_67, %div3A : vector<512x32xf32>
      %get3A_75 = arith.constant 0 : index
      %get3A_76 = arith.constant 0 : index
      %get3A_77 = vector.load %arg6[%get3A_75, %get3A_76] : memref<32x32xf32, #tpu.memory_space<vmem>>, vector<32x32xf32>
      %dot_general3A_78 = arith.constant dense<0.000000e+00> : vector<512x32xf32>
      %dot_general3A_79 = tpu.matmul %div3A_74, %get3A_77, %dot_general3A_78 {dimension_numbers = #tpu.dot_dimension_numbers<[1], [0], [0], [1], [0, 0, 1, 1], [], []>, precision = #tpu.contract_precision<fp32>, transpose_lhs_hint = false} : vector<512x32xf32>, vector<32x32xf32>, vector<512x32xf32> -> vector<512x32xf32>
      %get3A_80 = arith.constant 0 : index
      %get3A_81 = arith.constant 0 : index
      %get3A_82 = vector.load %arg7[%get3A_80, %get3A_81] : memref<1x32xf32, #tpu.memory_space<vmem>>, vector<1x32xf32>
      %add3A_83 = vector.broadcast %get3A_82 : vector<1x32xf32> to vector<512x32xf32>
      %add3A_84 = arith.addf %dot_general3A_79, %add3A_83 : vector<512x32xf32>
      %max3A_85 = arith.constant 0.000000e+00 : f32
      %max3A_86 = vector.broadcast %max3A_85 : f32 to vector<512x32xf32>
      %max3A_87 = arith.maximumf %add3A_84, %max3A_86 : vector<512x32xf32>
      %get3A_88 = arith.constant 0 : index
      %get3A_89 = arith.constant 0 : index
      %get3A_90 = vector.load %arg8[%get3A_88, %get3A_89] : memref<32x16xf32, #tpu.memory_space<vmem>>, vector<32x16xf32>
      %dot_general3A_91 = arith.constant dense<0.000000e+00> : vector<512x16xf32>
      %dot_general3A_92 = tpu.matmul %max3A_87, %get3A_90, %dot_general3A_91 {dimension_numbers = #tpu.dot_dimension_numbers<[1], [0], [0], [1], [0, 0, 1, 1], [], []>, precision = #tpu.contract_precision<fp32>, transpose_lhs_hint = false} : vector<512x32xf32>, vector<32x16xf32>, vector<512x16xf32> -> vector<512x16xf32>
      %get3A_93 = arith.constant 0 : index
      %get3A_94 = arith.constant 0 : index
      %get3A_95 = vector.load %arg9[%get3A_93, %get3A_94] : memref<1x16xf32, #tpu.memory_space<vmem>>, vector<1x16xf32>
      %add3A_96 = vector.broadcast %get3A_95 : vector<1x16xf32> to vector<512x16xf32>
      %add3A_97 = arith.addf %dot_general3A_92, %add3A_96 : vector<512x16xf32>
      %max3A_98 = arith.constant 0.000000e+00 : f32
      %max3A_99 = vector.broadcast %max3A_98 : f32 to vector<512x16xf32>
      %max3A_100 = arith.maximumf %add3A_97, %max3A_99 : vector<512x16xf32>
      %get3A_101 = arith.constant 0 : index
      %get3A_102 = arith.constant 0 : index
      %get3A_103 = vector.load %arg10[%get3A_101, %get3A_102] : memref<16x8xf32, #tpu.memory_space<vmem>>, vector<16x8xf32>
      %dot_general3A_104 = arith.constant dense<0.000000e+00> : vector<512x8xf32>
      %dot_general3A_105 = tpu.matmul %max3A_100, %get3A_103, %dot_general3A_104 {dimension_numbers = #tpu.dot_dimension_numbers<[1], [0], [0], [1], [0, 0, 1, 1], [], []>, precision = #tpu.contract_precision<fp32>, transpose_lhs_hint = false} : vector<512x16xf32>, vector<16x8xf32>, vector<512x8xf32> -> vector<512x8xf32>
      %get3A_106 = arith.constant 0 : index
      %get3A_107 = arith.constant 0 : index
      %get3A_108 = vector.load %arg11[%get3A_106, %get3A_107] : memref<1x8xf32, #tpu.memory_space<vmem>>, vector<1x8xf32>
      %add3A_109 = vector.broadcast %get3A_108 : vector<1x8xf32> to vector<512x8xf32>
      %add3A_110 = arith.addf %dot_general3A_105, %add3A_109 : vector<512x8xf32>
      %max3A_111 = arith.constant 0.000000e+00 : f32
      %max3A_112 = vector.broadcast %max3A_111 : f32 to vector<512x8xf32>
      %max3A_113 = arith.maximumf %add3A_110, %max3A_112 : vector<512x8xf32>
      %get3A_114 = arith.constant 0 : index
      %get3A_115 = arith.constant 0 : index
      %get3A_116 = vector.load %arg12[%get3A_114, %get3A_115] : memref<8x1xf32, #tpu.memory_space<vmem>>, vector<8x1xf32>
      %dot_general3A_117 = arith.constant dense<0.000000e+00> : vector<512x1xf32>
      %dot_general3A_118 = tpu.matmul %max3A_113, %get3A_116, %dot_general3A_117 {dimension_numbers = #tpu.dot_dimension_numbers<[1], [0], [0], [1], [0, 0, 1, 1], [], []>, precision = #tpu.contract_precision<fp32>, transpose_lhs_hint = false} : vector<512x8xf32>, vector<8x1xf32>, vector<512x1xf32> -> vector<512x1xf32>
      %get3A_119 = arith.constant 0 : index
      %get3A_120 = arith.constant 0 : index
      %get3A_121 = vector.load %arg13[%get3A_119, %get3A_120] : memref<1x1xf32, #tpu.memory_space<vmem>>, vector<1x1xf32>
      %add3A_122 = vector.broadcast %get3A_121 : vector<1x1xf32> to vector<512x1xf32>
      %add3A_123 = arith.addf %dot_general3A_118, %add3A_122 : vector<512x1xf32>
      %swap3A = arith.constant 0 : index
      %swap3A_124 = arith.constant 0 : index
      %swap3A_125 = vector.load %arg14[%swap3A, %swap3A_124] : memref<512x1xf32, #tpu.memory_space<vmem>>, vector<512x1xf32>
      tpu.vector_store %arg14[%swap3A, %swap3A_124], %add3A_123 {strides = array<i32>} : memref<512x1xf32, #tpu.memory_space<vmem>>, vector<512x1xf32>,
    } else {
    }
    return
  }
  func.func @transform_0(%arg0: i32) -> (i32, i32, i32) {
    %c0_i32 = arith.constant 0 : i32
    %c0_i32_0 = arith.constant 0 : i32
    %c0_i32_1 = arith.constant 0 : i32
    return %c0_i32, %arg0, %c0_i32_0 : i32, i32, i32
  }
  func.func @transform_1(%arg0: i32) -> (i32, i32) {
    %c0_i32 = arith.constant 0 : i32
    %c0_i32_0 = arith.constant 0 : i32
    return %arg0, %c0_i32 : i32, i32
  }
  func.func @transform_2(%arg0: i32) -> (i32, i32) {
    %c0_i32 = arith.constant 0 : i32
    %c0_i32_0 = arith.constant 0 : i32
    return %c0_i32, %arg0 : i32, i32
  }
  func.func @transform_3(%arg0: i32) -> (i32, i32) {
    %c0_i32 = arith.constant 0 : i32
    %c0_i32_0 = arith.constant 0 : i32
    %c0_i32_1 = arith.constant 0 : i32
    return %c0_i32, %c0_i32_0 : i32, i32
  }
  func.func @transform_4(%arg0: i32) -> (i32, i32) {
    %c0_i32 = arith.constant 0 : i32
    %c0_i32_0 = arith.constant 0 : i32
    return %arg0, %c0_i32 : i32, i32
  }
  func.func @transform_5(%arg0: i32) -> (i32, i32) {
    %c0_i32 = arith.constant 0 : i32
    %c0_i32_0 = arith.constant 0 : i32
    %c0_i32_1 = arith.constant 0 : i32
    return %c0_i32, %c0_i32_0 : i32, i32
  }
  func.func @transform_6(%arg0: i32) -> (i32, i32) {
    %c0_i32 = arith.constant 0 : i32
    %c0_i32_0 = arith.constant 0 : i32
    %c0_i32_1 = arith.constant 0 : i32
    return %c0_i32, %c0_i32_0 : i32, i32
  }
  func.func @transform_7(%arg0: i32) -> (i32, i32) {
    %c0_i32 = arith.constant 0 : i32
    %c0_i32_0 = arith.constant 0 : i32
    %c0_i32_1 = arith.constant 0 : i32
    return %c0_i32, %c0_i32_0 : i32, i32
  }
  func.func @transform_8(%arg0: i32) -> (i32, i32) {
    %c0_i32 = arith.constant 0 : i32
    %c0_i32_0 = arith.constant 0 : i32
    %c0_i32_1 = arith.constant 0 : i32
    return %c0_i32, %c0_i32_0 : i32, i32
  }
  func.func @transform_9(%arg0: i32) -> (i32, i32) {
    %c0_i32 = arith.constant 0 : i32
    %c0_i32_0 = arith.constant 0 : i32
    %c0_i32_1 = arith.constant 0 : i32
    return %c0_i32, %c0_i32_0 : i32, i32
  }
  func.func @transform_10(%arg0: i32) -> (i32, i32) {
    %c0_i32 = arith.constant 0 : i32
    %c0_i32_0 = arith.constant 0 : i32
    %c0_i32_1 = arith.constant 0 : i32
    return %c0_i32, %c0_i32_0 : i32, i32
  }
  func.func @transform_11(%arg0: i32) -> (i32, i32) {
    %c0_i32 = arith.constant 0 : i32
    %c0_i32_0 = arith.constant 0 : i32
    %c0_i32_1 = arith.constant 0 : i32
    return %c0_i32, %c0_i32_0 : i32, i32
  }
  func.func @transform_12(%arg0: i32) -> (i32, i32) {
    %c0_i32 = arith.constant 0 : i32
    %c0_i32_0 = arith.constant 0 : i32
    %c0_i32_1 = arith.constant 0 : i32
    return %c0_i32, %c0_i32_0 : i32, i32
  }
  func.func @transform_13(%arg0: i32) -> (i32, i32) {
    %c0_i32 = arith.constant 0 : i32
    %c0_i32_0 = arith.constant 0 : i32
    %c0_i32_1 = arith.constant 0 : i32
    return %c0_i32, %c0_i32_0 : i32, i32
  }
}

</mosaic_0001>

<sc_bundles>
// kernel: kernel.11.cloned.1.call-start
scs
__scs_entry_jumppad:
0x0: {  	(pc) =	sbr.rel $0x88, $3  }
0x1: {  	(tag) =	ssettag $0x0;
	lr =	simm.s32 $0x1  }
0x2: {  	[smem:$0x3F92] =	sst lr;
	_ =	strace $0xD0000000  }
0x3: {  	_ = 	snop  }
0x4: {  	_ = 	snop  }
0x5: {  	_ = 	snop  }
0x6: {  	_ = 	snop  }
0x7: {  	_ = 	snop  }
__scs_overlays_trampoline_lowered:
0x8: {  	[smem:$0x3FA1] =	sst s0  }
0x9: {  	[smem:$0x3FA2] =	sst s1  }
0xa: {  	[smem:$0x3FA3] =	sst s2  }
0xb: {  	[smem:$0x3FA4] =	sst s3  }
0xc: {  	[smem:$0x3FA5] =	sst s4  }
0xd: {  	[smem:$0x3FA6] =	sst s5  }
0xe: {  	[smem:$0x3FA7] =	sst s6  }
0xf: {  	[smem:$0x3FA8] =	sst s7  }
0x10: {  	[smem:$0x3FA9] =	sst s8  }
0x11: {  	[smem:$0x3FAA] =	sst s9;
	s0 =	simm.s32 @!p0 $0x0  }
0x12: {  	s1 =	sld [smem:$0x3F90];
	s0 =	simm.s32 @p0 $0x1  }
0x13: {  	[smem:$0x3FAB] =	sst s0;
	s0 =	simm.s32 @!p1 $0x0  }
0x14: {  	s2 =	sld [smem:$0x3F8F];
	s0 =	simm.s32 @p1 $0x1  }
0x15: {  	[smem:$0x3FAC] =	sst s0;
	s0 =	simm.s32 @!p2 $0x0  }
0x16: {  	s3 =	sld [smem:$0x3FDB];
	s0 =	simm.s32 @p2 $0x1  }
0x17: {  	s4 =	simm.s32 $0x1BF5;
	[smem:$0x3FAE] =	sst s0  }
0x18: {  	s0 =	sld [smem:$0x3F91];
	_ =	swait.ge [sflag:s4], $0x0  }
0x19: {  	s7 =	sld [smem:$0x3F92]  }
0x1a: {  	s8 =	sadd.s32 $0xFFFFE003, lr  }
0x1b: {  	s9 =	sadd.s32 $0xFFFFFEF7, lr;
	s5 =	simm.s32 $0xFFFFFFFF;
	p2 =	slt.u32 s8, $0xFFFFF086  }
0x1c: {  	p1 =	slt.u32 s9, $0xF7A;
	s5 =	simm.s32 @!p2 $0x0  }
0x1d: {  	s5 =	simm.s32 @p1 $0x1;
	p0 =	seq.s32 s7, s2  }
0x1e: {  	s7 =	smul.u32 @!p0 $0xF7A, s2;
	p2 =	seq.s32 @!p0 s5, $0x0  }
0x1f: {  	s9 =	smul.u32 $0xF7A, s1;
	s8 =	simm.s32 @!p0 $0x1BF5;
	p2 =	por !p2, p0  }
0x20: {  	[sflag:s8] =	ssyncset.s32 @!p0 $0xFFFFF086;
	s6 =	sadd.s32 @!p0 s3, s7;
	s7 =	simm.s32 @!p0 $0x108  }
0x21: {  	s3 =	sadd.s32 s3, s9;
	s6 =	sadd.s32 @!p0 $0x88, s6;
	s7 =	simm.s32 @p2 $0x1082  }
0x22: {  	[simem:s7], [sflag:s8] =	dma.local @!p0 [hbm:s6], $0xF7A  }
0x23: {  	s9 =	sor.u32 $0xD0000000, s2;
	s6 =	simm.s32 $0x108;
	_ =	swait.ge @!p0 [sflag:s8], $0x0  }
0x24: {  	s3 =	sadd.s32 $0x88, s3;
	s6 =	simm.s32 @!p1 $0x1082;
	[sflag:s4] =	ssyncset.s32 $0xFFFFF086  }
0x25: {  	[simem:s6], [sflag:s4] =	dma.local [hbm:s3], $0xF7A  }
0x26: {  	[smem:$0x3F92] =	sst s1;
	(tag) =	ssettag s2;
	_ =	strace s9  }
0x27: {  	s1 =	sld [smem:$0x3FA2]  }
0x28: {  	s2 =	sld [smem:$0x3FA3]  }
0x29: {  	s4 =	sld [smem:$0x3FA5]  }
0x2a: {  	p0 =	seq.s32 s5, $0x0;
	s5 =	sld [smem:$0x3FA6]  }
0x2b: {  	s6 =	sld [smem:$0x3FA7]  }
0x2c: {  	s7 =	sld [smem:$0x3FA8]  }
0x2d: {  	s3 =	simm.s32 $0x108;
	s8 =	sld [smem:$0x3FA9]  }
0x2e: {  	s3 =	simm.s32 @!p0 $0x1082;
	s9 =	sld [smem:$0x3FAA]  }
0x2f: {  	lr =	sadd.s32 s0, s3;
	s0 =	sld [smem:$0x3FA1]  }
0x30: {  	s3 =	sld [smem:$0x3FA4]  }
0x31: {  	[smem:$0x3FAD] =	sst s10  }
0x32: {  	s10 =	sld [smem:$0x3FAB];
	_ =	sdelay $0x3  }
0x33: {  	p0 =	seq.s32 s10, $0x1;
	s10 =	sld [smem:$0x3FAD];
	_ =	sdelay $0x3  }
0x34: {  	[smem:$0x3FAD] =	sst s10  }
0x35: {  	s10 =	sld [smem:$0x3FAC];
	_ =	sdelay $0x3  }
0x36: {  	p1 =	seq.s32 s10, $0x1;
	s10 =	sld [smem:$0x3FAD];
	_ =	sdelay $0x3  }
0x37: {  	[smem:$0x3FAD] =	sst s10  }
0x38: {  	s10 =	sld [smem:$0x3FAE]  }
0x39: {  	_ = 	snop;
	(pc) =	sbr.ind lr, $3  }
0x3a: {  	_ = 	snop  }
0x3b: {  	_ = 	snop  }
0x3c: {  	p2 =	seq.s32 s10, $0x1;
	s10 =	sld [smem:$0x3FAD]  }
0x3d: {  	_ =	shalt  }
0x3e: {  	_ =	shalt  }
0x3f: {  	_ =	shalt  }
0x40: {  	_ =	shalt  }
0x41: {  	_ =	shalt  }
0x42: {  	_ =	shalt  }
0x43: {  	_ =	shalt  }
0x44: {  	_ =	shalt  }
0x45: {  	_ =	shalt  }
0x46: {  	_ =	shalt  }
0x47: {  	_ =	shalt  }
0x48: {  	_ =	shalt  }
0x49: {  	_ =	shalt  }
0x4a: {  	_ =	shalt  }
0x4b: {  	_ =	shalt  }
0x4c: {  	_ =	shalt  }
0x4d: {  	_ =	shalt  }
0x4e: {  	_ =	shalt  }
0x4f: {  	_ =	shalt  }
0x50: {  	_ =	shalt  }
0x51: {  	_ =	shalt  }
0x52: {  	_ =	shalt  }
0x53: {  	_ =	shalt  }
0x54: {  	_ =	shalt  }
0x55: {  	_ =	shalt  }
0x56: {  	_ =	shalt  }
0x57: {  	_ =	shalt  }
0x58: {  	_ =	shalt  }
0x59: {  	_ =	shalt  }
0x5a: {  	_ =	shalt  }
0x5b: {  	_ =	shalt  }
0x5c: {  	_ =	shalt  }
0x5d: {  	_ =	shalt  }
0x5e: {  	_ =	shalt  }
0x5f: {  	_ =	shalt  }
0x60: {  	_ =	shalt  }
0x61: {  	_ =	shalt  }
0x62: {  	_ =	shalt  }
0x63: {  	_ =	shalt  }
0x64: {  	_ =	shalt  }
0x65: {  	_ =	shalt  }
0x66: {  	_ =	shalt  }
0x67: {  	_ =	shalt  }
0x68: {  	_ =	shalt  }
0x69: {  	_ =	shalt  }
0x6a: {  	_ =	shalt  }
0x6b: {  	_ =	shalt  }
0x6c: {  	_ =	shalt  }
0x6d: {  	_ =	shalt  }
0x6e: {  	_ =	shalt  }
0x6f: {  	_ =	shalt  }
0x70: {  	_ =	shalt  }
0x71: {  	_ =	shalt  }
0x72: {  	_ =	shalt  }
0x73: {  	_ =	shalt  }
0x74: {  	_ =	shalt  }
0x75: {  	_ =	shalt  }
0x76: {  	_ =	shalt  }
0x77: {  	_ =	shalt  }
0x78: {  	_ =	shalt  }
0x79: {  	_ =	shalt  }
0x7a: {  	_ =	shalt  }
0x7b: {  	_ =	shalt  }
0x7c: {  	_ =	shalt  }
0x7d: {  	_ =	shalt  }
0x7e: {  	_ =	shalt  }
0x7f: {  	_ =	shalt  }
0x80: {  	_ =	shalt  }
0x81: {  	_ =	shalt  }
0x82: {  	_ =	shalt  }
0x83: {  	_ =	shalt  }
0x84: {  	_ =	shalt  }
0x85: {  	_ =	shalt  }
0x86: {  	_ =	shalt  }
0x87: {  	_ =	shalt  }
.Lfunc_end0:
.L_simem_size_0:
called_computation.1_lowered:
.L_overlay_start_0:
0x88: {  	s2 =	sld [smem:$0x3FD9]  }
0x89: {  	s3 =	sld [smem:$0x3FFE];
	_ =	sdelay $0x1  }
0x8a: {  	s1 =	srdreg.scid  }
0x8b: {  	s0 =	sand.u32 $0x1, s1  }
0x8c: {  	s16 =	sshll.u32 s0, $0xA;
	s2 =	sadd.s32 s3, s2  }
0x8d: {  	s2 =	sadd.s32 s2, s16  }
0x8e: {  	[smem:$0x3FB9] =	sst s2  }
0x8f: {  	_ = 	snop  }
0x90: {  	(tm) =	ssettm $0x1  }
0x91: {  	s17 =	sld [smem:$0x3FFB];
	_ =	sdelay $0x3  }
0x92: {  	_ =	strace s17  }
0x93: {  	s2 =	sld [smem:$0x3FFC];
	_ =	sdelay $0x3  }
0x94: {  	_ =	strace s2  }
0x95: {  	s2 =	sld [smem:$0x3FFD];
	_ =	sdelay $0x3  }
0x96: {  	_ =	strace s2  }
0x97: {  	_ =	strace $0x8FFFFFFF  }
0x98: {  	s18 =	sld [smem:$0x3FDB];
	_ =	sdelay $0x1  }
0x99: {  	s19 =	simm.s32 $_scs_section_size  }
0x9a: {  	s4 =	simm.s32 $_size__tile_overlayer_lowered;
	s5 =	simm.s32 $_tile_overlayer_lowered  }
0x9b: {  	s22 =	simm.s32 $0x1BFF;
	s21 =	sshll.u32 s5, $0x1;
	s2 =	sadd.s32 s19, s18  }
0x9c: {  	s6 =	simm.s32 $0x0;
	s20 =	sshll.u32 s4, $0x1;
	s4 =	sadd.s32 s21, s2  }
0x9d: {  	[timem:s6], [sflag:s22] =	dma.local [hbm:s4], s20  }
0x9e: {  	_ =	swait.ge [sflag:s22], s20  }
0x9f: {  	s3 =	ssub.s32 $0x0, s20;
	[sflag:s22] =	ssyncset.done $0x0  }
0xa0: {  	[sflag:s22] =	ssyncadd.s32 s3;
	_ =	sdelay $0x1  }
0xa1: {  	s23 =	simm.s32 $0x1B8B  }
0xa2: {  	_ =	swait.ge [sflag:s23], $0x1  }
0xa3: {  	[sflag:s23] =	ssyncset.done $0x0  }
0xa4: {  	s25 =	simm.s32 $0x1B8E;
	s24 =	sld [smem:$0x3FFE];
	[sflag:s23] =	ssyncadd.s32 $0xFFFFFFFF  }
0xa5: {  	s26 =	simm.s32 $execute0_lowered;
	[smem:$0x3FD2] =	sst s25  }
0xa6: {  	s4 =	sshll.u32 s26, $0x1;
	_ =	strace $0x80000049;
	[dreg:$0x1] =	wrdreg $0xFFFFFFFF  }
0xa7: {  	s28 =	simm.s32 $_size_execute0_lowered;
	s2 =	sadd.s32 s2, s4;
	[dreg:$0x0] =	wrdreg $0x0  }
0xa8: {  	s4 =	sshll.u32 s28, $0x1;
	[dreg:$0x2] =	wrdreg s2  }
0xa9: {  	[dreg:$0x3] =	wrdreg s4  }
0xaa: {  	[dreg:$0x4] =	wrdreg $0xC0  }
0xab: {  	_ =	task [dreg:s6], $0x5FFFF  }
0xac: {  	[dreg:$0x1] =	wrdreg $0xFFFFFFFF  }
0xad: {  	[dreg:$0x0] =	wrdreg $0x60  }
0xae: {  	[dreg:$0x2] =	wrdreg s24  }
0xaf: {  	[dreg:$0x3] =	wrdreg $0x0  }
0xb0: {  	[dreg:$0x4] =	wrdreg $0x9  }
0xb1: {  	_ =	task.clear_ibuf [dreg:s6], $0x5FFFF;
	_ =	strace $0x90000049  }
0xb2: {  	s29 =	simm.s32 $0x9;
	_ =	strace $0x8000004B  }
0xb3: {  	_ =	swait.ge [sflag:s29], $0x1  }
0xb4: {  	[sflag:s29] =	ssyncadd.s32 $0xFFFFFFFF  }
0xb5: {  	_ =	strace $0x9000004B  }
0xb6: {  	_ =	sfence  }
0xb7: {  	s30 =	sld [smem:$0x0];
	_ =	sdelay $0x2  }
0xb8: {  	s31 =	sshll.u32 s1, $0xD;
	s1 =	sshrl.u32 s1, $0x2  }
0xb9: {  	s3 =	sand.u32 $0x4000, s31;
	s1 =	sadd.s32 s1, s30  }
0xba: {  	s0 =	sor.u32 s3, s0;
	s1 =	sshll.u32 s1, $0x11  }
0xbb: {  	s0 =	sor.u32 s1, s0  }
0xbc: {  	s0 =	sadd.s32 $0x8F2B, s0  }
0xbd: {  	[sflag:s0] =	ssyncadd.remote.s32 $0x1  }
0xbe: {  	_ =	sfence.sel $0xFFFF  }
0xbf: {  	[dreg:$0x0] =	wrdreg $0xFFFFFFFF;
	(pc) =	sbr.abs _section_cstart, $3  }
0xc0: {  	[dreg:$0x1] =	wrdreg $0xFFFFFFFF  }
0xc1: {  	_ =	task.clear_ibuf [dreg:s6], $0x2FFFF;
	_ =	strace $0x9FFFFFFF  }
0xc2: {  	(tm) =	ssettm $0x7FFFFFFF  }
0xc3: {  	_ =	shalt  }
tec
execute0_lowered:
.L_overlay_start_1:
0x0: {  	(tag) =	ssettag $0x1  }
0x1: {  	s0 =	rddreg [dreg:$0x0]  }
0x2: {  	s1 =	rddreg [dreg:$0x1]  }
0x3: {  	s2 =	srdreg.scid;
	s16 =	simm.s32 $0x0;
	s10 =	stileid.u32  }
0x4: {  	s11 =	simm.s32 $0xE400;
	s12 =	simm.s32 $0x9;
	s13 =	simm.s32 $0xC800  }
0x5: {  	s14 =	simm.s32 $0xD600;
	s15 =	simm.s32 $0x80;
	s17 =	simm.s32 $0xEC00  }
0x6: {  	s19 =	simm.s32 $0xF400;
	s21 =	simm.s32 $0xFC00;
	s22 =	simm.s32 $0x1  }
0x7: {  	s29 =	simm.s32 $0x6;
	s31 =	simm.s32 $0x3;
	s18 =	simm.s32 $0xE200  }
0x8: {  	s20 =	simm.s32 $0xE280;
	s28 =	simm.s32 $0xE380;
	s30 =	simm.s32 $0x0  }
0x9: {  	s2 =	sand.u32 $0x1, s2;
	[smem:$0x7FF] =	sst s16;
	s9 =	smul.u32 $0xC800, s10  }
0xa: {  	s4 =	sadd.s32 $0x32C00, s0;
	s5 =	sadd.s32 $0xFDE00, s0;
	s8 =	smul.u32 $0x32000, s10  }
0xb: {  	s6 =	sadd.s32 $0x1C00, s0;
	s3 =	smul.u32 $0xC8000, s2;
	s7 =	ssub.s32 $0x2, s2  }
0xc: {  	_ =	strace $0x8000004A;
	s2 =	sshll.u32 s2, $0x4;
	s23 =	sshrl.u32 s7, $0x1  }
0xd: {  	s2 =	sor.u32 s10, s2;
	s24 =	sshrl.u32 s8, $0x2;
	s3 =	sadd.s32 s9, s3  }
0xe: {  	s25 =	sadd.s32 s9, s1;
	s10 =	simm.s32 $0x4;
	s3 =	sshrl.u32 s3, $0x3  }
0xf: {  	s8 =	smul.u32 $0xC400, s2;
	s2 =	simm.s32 $0x7;
	s0 =	sadd.s32 s3, s0  }
0x10: {  	s3 =	ssub.s32 s7, s23;
	s7 =	sadd.s32 s24, s1;
	s0 =	sadd.s32 $0x4BC00, s0  }
0x11: {  	s23 =	simm.s32 $0x5;
	s26 =	smax.u32 s3, $0x1;
	[dreg:$0x4] =	wrdreg s0  }
0x12: {  	s24 =	simm.s32 $0xE300;
	[dreg:$0x5] =	wrdreg s26;
	s0 =	sshrl.u32 s25, $0x3  }
0x13: {  	v0 =	vimm.f32 $0.0e+00;
	s3 =	simm.s32 $0x8;
	s26 =	simm.s32 $0x2;
	[dreg:$0x6] =	wrdreg s0  }
.LBB2_1:
0x14: {  	s0 =	simm.s32 $0x0  }
.LBB2_2:
0x15: {  	p0 =	sne.s32 s0, $0x1FC0  }
.Ltmp0:
0x16: {  	_ = 	snop;
	(pc) =	sbr.rel @p0 .LBB2_2-.Ltmp0, $3  }
0x17: {  	_ =	sdelay $0x1  }
0x18: {  	s9 =	sshra.s32 s0, $0x2  }
0x19: {  	s0 =	sadd.s32 $0x40, s0;
	[tilespmem:s9+$0xE400] =	vst v0  }
0x1a: {  	[dreg:$0x3] =	wrdreg s16;
	s0 =	sadd.s32 $0x0, s7  }
0x1b: {  	[spmem:s0] =	stream.linear.scatter [tilespmem:s11], [sflag:$0x9], $0x800, $0x38;
	[tilespmem:$0x10400] =	vst v63  }
0x1c: {  	s0 =	simm.s32 $0x2000;
	_ =	swait.ge [sflag:s12], $0x800  }
.LBB2_4:
0x1d: {  	s9 =	sshra.s32 s0, $0x2;
	[sflag:s12] =	ssyncset.done $0x0;
	p0 =	sne.s32 s0, $0x30000  }
.Ltmp1:
0x1e: {  	s9 =	sadd.s32 s9, s7;
	[sflag:s12] =	ssyncadd.s32 $0xFFFFF800;
	(pc) =	sbr.rel @p0 .LBB2_4-.Ltmp1, $3  }
0x1f: {  	[spmem:s9] =	stream.linear.scatter [tilespmem:s11], [sflag:$0x9], $0x800, $0x38;
	[tilespmem:$0x10400] =	vst v63  }
0x20: {  	s0 =	sadd.s32 $0x2000, s0;
	_ =	sdelay $0x1  }
0x21: {  	_ =	swait.ge [sflag:s12], $0x800  }
0x22: {  	[sflag:s12] =	ssyncset.done $0x0  }
0x23: {  	[sflag:s12] =	ssyncadd.s32 $0xFFFFF800  }
0x24: {  	s0 =	simm.s32 $0x0;
	[bflag:$0x0] =	sbarrier.arrive $0xFFFF  }
.LBB2_6:
0x25: {  	s9 =	smul.u32 $0xE00, s0;
	_ =	sdelay $0x1  }
0x26: {  	s9 =	sadd.s32 s8, s9  }
0x27: {  	s9 =	sshrl.u32 s9, $0x3  }
0x28: {  	s25 =	sadd.s32 s5, s9  }
0x29: {  	[tilespmem:s13], [sflag:$0x9] =	stream.linear.gather [hbm4b:s25+s30], $0xE00, $0x38;
	[tilespmem:$0x10400] =	vst v63  }
0x2a: {  	_ =	swait.ge [sflag:s12], $0xE00  }
0x2b: {  	[sflag:s12] =	ssyncset.done $0x0  }
0x2c: {  	s9 =	sadd.s32 s6, s9;
	[sflag:s12] =	ssyncadd.s32 $0xFFFFF200  }
0x2d: {  	[tilespmem:s14], [sflag:$0x9] =	stream.linear.gather [hbm4b:s9+s30], $0xE00, $0x38;
	[tilespmem:$0x10400] =	vst v63  }
0x2e: {  	_ =	swait.ge [sflag:s12], $0xE00  }
0x2f: {  	[sflag:s12] =	ssyncset.done $0x0  }
0x30: {  	[sflag:s12] =	ssyncadd.s32 $0xFFFFF200  }
0x31: {  	[tilespmem:s11], [sflag:$0x1] =	stream.indirect.gather [hbm4b:s4+s15], $0x10, s13, s15, $0xb8;
	[tilespmem:$0x10400] =	vst v63  }
0x32: {  	s16 =	simm.s32 $0xC880  }
0x33: {  	[tilespmem:s17], [sflag:$0x2] =	stream.indirect.gather [hbm4b:s4+s15], $0x10, s16, s15, $0xb8;
	[tilespmem:$0x10400] =	vst v63  }
0x34: {  	s25 =	simm.s32 $0xC900  }
0x35: {  	[tilespmem:s19], [sflag:$0x3] =	stream.indirect.gather [hbm4b:s4+s15], $0x10, s25, s15, $0xb8;
	[tilespmem:$0x10400] =	vst v63  }
0x36: {  	s16 =	simm.s32 $0xC980  }
0x37: {  	[tilespmem:s21], [sflag:$0x4] =	stream.indirect.gather [hbm4b:s4+s15], $0x10, s16, s15, $0xb8;
	[tilespmem:$0x10400] =	vst v63  }
0x38: {  	_ =	swait.ge [sflag:s22], $0x800  }
0x39: {  	[sflag:s22] =	ssyncset.done $0x0  }
0x3a: {  	[sflag:s22] =	ssyncadd.s32 $0xFFFFF800  }
0x3b: {  	[spmem:s1] =	stream.indirect.scatter.add.f32 [tilespmem:s11], [sflag:$0x5], $0x10, s14, s15, $0xb8;
	[tilespmem:$0x10400] =	vst v63  }
0x3c: {  	_ =	swait.ge [sflag:s23], $0x800  }
0x3d: {  	[sflag:s23] =	ssyncset.done $0x0  }
0x3e: {  	s25 =	simm.s32 $0xCA00;
	[sflag:s23] =	ssyncadd.s32 $0xFFFFF800  }
0x3f: {  	[tilespmem:s11], [sflag:$0x1] =	stream.indirect.gather [hbm4b:s4+s15], $0x10, s25, s15, $0xb8;
	[tilespmem:$0x10400] =	vst v63  }
0x40: {  	_ =	swait.ge [sflag:s26], $0x800  }
0x41: {  	[sflag:s26] =	ssyncset.done $0x0  }
0x42: {  	s16 =	simm.s32 $0xD680;
	[sflag:s26] =	ssyncadd.s32 $0xFFFFF800  }
0x43: {  	[spmem:s1] =	stream.indirect.scatter.add.f32 [tilespmem:s17], [sflag:$0x6], $0x10, s16, s15, $0xb8;
	[tilespmem:$0x10400] =	vst v63  }
0x44: {  	_ =	swait.ge [sflag:s29], $0x800  }
0x45: {  	[sflag:s29] =	ssyncset.done $0x0  }
0x46: {  	s25 =	simm.s32 $0xCA80;
	[sflag:s29] =	ssyncadd.s32 $0xFFFFF800  }
0x47: {  	[tilespmem:s17], [sflag:$0x2] =	stream.indirect.gather [hbm4b:s4+s15], $0x10, s25, s15, $0xb8;
	[tilespmem:$0x10400] =	vst v63  }
0x48: {  	_ =	swait.ge [sflag:s31], $0x800  }
0x49: {  	[sflag:s31] =	ssyncset.done $0x0  }
0x4a: {  	s16 =	simm.s32 $0xD700;
	[sflag:s31] =	ssyncadd.s32 $0xFFFFF800  }
0x4b: {  	[spmem:s1] =	stream.indirect.scatter.add.f32 [tilespmem:s19], [sflag:$0x7], $0x10, s16, s15, $0xb8;
	[tilespmem:$0x10400] =	vst v63  }
0x4c: {  	_ =	swait.ge [sflag:s2], $0x800  }
0x4d: {  	[sflag:s2] =	ssyncset.done $0x0  }
0x4e: {  	s25 =	simm.s32 $0xCB00;
	[sflag:s2] =	ssyncadd.s32 $0xFFFFF800  }
0x4f: {  	[tilespmem:s19], [sflag:$0x3] =	stream.indirect.gather [hbm4b:s4+s15], $0x10, s25, s15, $0xb8;
	[tilespmem:$0x10400] =	vst v63  }
0x50: {  	_ =	swait.ge [sflag:s10], $0x800  }
0x51: {  	[sflag:s10] =	ssyncset.done $0x0  }
0x52: {  	s16 =	simm.s32 $0xD780;
	[sflag:s10] =	ssyncadd.s32 $0xFFFFF800  }
0x53: {  	[spmem:s1] =	stream.indirect.scatter.add.f32 [tilespmem:s21], [sflag:$0x8], $0x10, s16, s15, $0xb8;
	[tilespmem:$0x10400] =	vst v63  }
0x54: {  	_ =	swait.ge [sflag:s3], $0x800  }
0x55: {  	[sflag:s3] =	ssyncset.done $0x0  }
0x56: {  	s25 =	simm.s32 $0xCB80;
	[sflag:s3] =	ssyncadd.s32 $0xFFFFF800  }
0x57: {  	[tilespmem:s21], [sflag:$0x4] =	stream.indirect.gather [hbm4b:s4+s15], $0x10, s25, s15, $0xb8;
	[tilespmem:$0x10400] =	vst v63  }
0x58: {  	_ =	swait.ge [sflag:s22], $0x800  }
0x59: {  	[sflag:s22] =	ssyncset.done $0x0  }
0x5a: {  	s16 =	simm.s32 $0xD800;
	[sflag:s22] =	ssyncadd.s32 $0xFFFFF800  }
0x5b: {  	[spmem:s1] =	stream.indirect.scatter.add.f32 [tilespmem:s11], [sflag:$0x5], $0x10, s16, s15, $0xb8;
	[tilespmem:$0x10400] =	vst v63  }
0x5c: {  	_ =	swait.ge [sflag:s23], $0x800  }
0x5d: {  	[sflag:s23] =	ssyncset.done $0x0  }
0x5e: {  	s25 =	simm.s32 $0xCC00;
	[sflag:s23] =	ssyncadd.s32 $0xFFFFF800  }
0x5f: {  	[tilespmem:s11], [sflag:$0x1] =	stream.indirect.gather [hbm4b:s4+s15], $0x10, s25, s15, $0xb8;
	[tilespmem:$0x10400] =	vst v63  }
0x60: {  	_ =	swait.ge [sflag:s26], $0x800  }
0x61: {  	[sflag:s26] =	ssyncset.done $0x0  }
0x62: {  	s16 =	simm.s32 $0xD880;
	[sflag:s26] =	ssyncadd.s32 $0xFFFFF800  }
0x63: {  	[spmem:s1] =	stream.indirect.scatter.add.f32 [tilespmem:s17], [sflag:$0x6], $0x10, s16, s15, $0xb8;
	[tilespmem:$0x10400] =	vst v63  }
0x64: {  	_ =	swait.ge [sflag:s29], $0x800  }
0x65: {  	[sflag:s29] =	ssyncset.done $0x0  }
0x66: {  	s25 =	simm.s32 $0xCC80;
	[sflag:s29] =	ssyncadd.s32 $0xFFFFF800  }
0x67: {  	[tilespmem:s17], [sflag:$0x2] =	stream.indirect.gather [hbm4b:s4+s15], $0x10, s25, s15, $0xb8;
	[tilespmem:$0x10400] =	vst v63  }
0x68: {  	_ =	swait.ge [sflag:s31], $0x800  }
0x69: {  	[sflag:s31] =	ssyncset.done $0x0  }
0x6a: {  	s16 =	simm.s32 $0xD900;
	[sflag:s31] =	ssyncadd.s32 $0xFFFFF800  }
0x6b: {  	[spmem:s1] =	stream.indirect.scatter.add.f32 [tilespmem:s19], [sflag:$0x7], $0x10, s16, s15, $0xb8;
	[tilespmem:$0x10400] =	vst v63  }
0x6c: {  	_ =	swait.ge [sflag:s2], $0x800  }
0x6d: {  	[sflag:s2] =	ssyncset.done $0x0  }
0x6e: {  	s25 =	simm.s32 $0xCD00;
	[sflag:s2] =	ssyncadd.s32 $0xFFFFF800  }
0x6f: {  	[tilespmem:s19], [sflag:$0x3] =	stream.indirect.gather [hbm4b:s4+s15], $0x10, s25, s15, $0xb8;
	[tilespmem:$0x10400] =	vst v63  }
0x70: {  	_ =	swait.ge [sflag:s10], $0x800  }
0x71: {  	[sflag:s10] =	ssyncset.done $0x0  }
0x72: {  	s9 =	simm.s32 $0x800;
	s25 =	simm.s32 $0xD980;
	[sflag:s10] =	ssyncadd.s32 $0xFFFFF800  }
.LBB2_7:
0x73: {  	[spmem:s1] =	stream.indirect.scatter.add.f32 [tilespmem:s21], [sflag:$0x8], $0x10, s25, s15, $0xb8;
	[tilespmem:$0x10400] =	vst v63  }
0x74: {  	s25 =	smov.u32 s9  }
0x75: {  	p0 =	sne.s32 s9, $0x2000;
	s9 =	sadd.s32 $0x800, s9;
	_ =	swait.ge [sflag:s3], $0x800  }
0x76: {  	s25 =	sshra.s32 s25, $0x2;
	[sflag:s3] =	ssyncset.done $0x0  }
0x77: {  	s16 =	sadd.s32 $0xCB80, s25;
	[sflag:s3] =	ssyncadd.s32 $0xFFFFF800  }
0x78: {  	[tilespmem:s21], [sflag:$0x4] =	stream.indirect.gather [hbm4b:s4+s15], $0x10, s16, s15, $0xb8;
	[tilespmem:$0x10400] =	vst v63  }
0x79: {  	_ =	swait.ge [sflag:s22], $0x800  }
0x7a: {  	[sflag:s22] =	ssyncset.done $0x0  }
0x7b: {  	s16 =	sadd.s32 $0xD800, s25;
	[sflag:s22] =	ssyncadd.s32 $0xFFFFF800  }
0x7c: {  	[spmem:s1] =	stream.indirect.scatter.add.f32 [tilespmem:s11], [sflag:$0x5], $0x10, s16, s15, $0xb8;
	[tilespmem:$0x10400] =	vst v63  }
0x7d: {  	_ =	swait.ge [sflag:s23], $0x800  }
0x7e: {  	[sflag:s23] =	ssyncset.done $0x0  }
0x7f: {  	s16 =	sadd.s32 $0xCC00, s25;
	[sflag:s23] =	ssyncadd.s32 $0xFFFFF800  }
0x80: {  	[tilespmem:s11], [sflag:$0x1] =	stream.indirect.gather [hbm4b:s4+s15], $0x10, s16, s15, $0xb8;
	[tilespmem:$0x10400] =	vst v63  }
0x81: {  	_ =	swait.ge [sflag:s26], $0x800  }
0x82: {  	[sflag:s26] =	ssyncset.done $0x0  }
0x83: {  	s16 =	sadd.s32 $0xD880, s25;
	[sflag:s26] =	ssyncadd.s32 $0xFFFFF800  }
0x84: {  	[spmem:s1] =	stream.indirect.scatter.add.f32 [tilespmem:s17], [sflag:$0x6], $0x10, s16, s15, $0xb8;
	[tilespmem:$0x10400] =	vst v63  }
0x85: {  	_ =	swait.ge [sflag:s29], $0x800  }
0x86: {  	[sflag:s29] =	ssyncset.done $0x0  }
0x87: {  	s16 =	sadd.s32 $0xCC80, s25;
	[sflag:s29] =	ssyncadd.s32 $0xFFFFF800  }
0x88: {  	[tilespmem:s17], [sflag:$0x2] =	stream.indirect.gather [hbm4b:s4+s15], $0x10, s16, s15, $0xb8;
	[tilespmem:$0x10400] =	vst v63  }
0x89: {  	_ =	swait.ge [sflag:s31], $0x800  }
0x8a: {  	[sflag:s31] =	ssyncset.done $0x0  }
0x8b: {  	s16 =	sadd.s32 $0xD900, s25;
	[sflag:s31] =	ssyncadd.s32 $0xFFFFF800  }
0x8c: {  	[spmem:s1] =	stream.indirect.scatter.add.f32 [tilespmem:s19], [sflag:$0x7], $0x10, s16, s15, $0xb8;
	[tilespmem:$0x10400] =	vst v63  }
0x8d: {  	_ =	swait.ge [sflag:s2], $0x800  }
0x8e: {  	[sflag:s2] =	ssyncset.done $0x0  }
.Ltmp2:
0x8f: {  	s16 =	sadd.s32 $0xCD00, s25;
	[sflag:s2] =	ssyncadd.s32 $0xFFFFF800;
	(pc) =	sbr.rel @p0 .LBB2_7-.Ltmp2, $4  }
0x90: {  	[tilespmem:s19], [sflag:$0x3] =	stream.indirect.gather [hbm4b:s4+s15], $0x10, s16, s15, $0xb8;
	[tilespmem:$0x10400] =	vst v63  }
0x91: {  	_ =	swait.ge [sflag:s10], $0x800  }
0x92: {  	[sflag:s10] =	ssyncset.done $0x0  }
0x93: {  	s25 =	sadd.s32 $0xD980, s25;
	[sflag:s10] =	ssyncadd.s32 $0xFFFFF800  }
0x94: {  	[spmem:s1] =	stream.indirect.scatter.add.f32 [tilespmem:s21], [sflag:$0x8], $0x10, s25, s15, $0xb8;
	[tilespmem:$0x10400] =	vst v63  }
0x95: {  	_ =	swait.ge [sflag:s3], $0x800  }
0x96: {  	[sflag:s3] =	ssyncset.done $0x0  }
0x97: {  	s9 =	simm.s32 $0xD580;
	[sflag:s3] =	ssyncadd.s32 $0xFFFFF800  }
0x98: {  	[tilespmem:s21], [sflag:$0x4] =	stream.indirect.gather [hbm4b:s4+s15], $0x10, s9, s15, $0xb8;
	[tilespmem:$0x10400] =	vst v63  }
0x99: {  	_ =	swait.ge [sflag:s22], $0x800  }
0x9a: {  	[sflag:s22] =	ssyncset.done $0x0  }
0x9b: {  	[sflag:s22] =	ssyncadd.s32 $0xFFFFF800  }
0x9c: {  	[spmem:s1] =	stream.indirect.scatter.add.f32 [tilespmem:s11], [sflag:$0x5], $0x10, s18, s15, $0xb8;
	[tilespmem:$0x10400] =	vst v63  }
0x9d: {  	_ =	swait.ge [sflag:s23], $0x800  }
0x9e: {  	[sflag:s23] =	ssyncset.done $0x0  }
0x9f: {  	[sflag:s23] =	ssyncadd.s32 $0xFFFFF800  }
0xa0: {  	_ =	swait.ge [sflag:s26], $0x800  }
0xa1: {  	[sflag:s26] =	ssyncset.done $0x0  }
0xa2: {  	[sflag:s26] =	ssyncadd.s32 $0xFFFFF800  }
0xa3: {  	[spmem:s1] =	stream.indirect.scatter.add.f32 [tilespmem:s17], [sflag:$0x6], $0x10, s20, s15, $0xb8;
	[tilespmem:$0x10400] =	vst v63  }
0xa4: {  	_ =	swait.ge [sflag:s29], $0x800  }
0xa5: {  	[sflag:s29] =	ssyncset.done $0x0  }
0xa6: {  	[sflag:s29] =	ssyncadd.s32 $0xFFFFF800  }
0xa7: {  	_ =	swait.ge [sflag:s31], $0x800  }
0xa8: {  	[sflag:s31] =	ssyncset.done $0x0  }
0xa9: {  	[sflag:s31] =	ssyncadd.s32 $0xFFFFF800  }
0xaa: {  	[spmem:s1] =	stream.indirect.scatter.add.f32 [tilespmem:s19], [sflag:$0x7], $0x10, s24, s15, $0xb8;
	[tilespmem:$0x10400] =	vst v63  }
0xab: {  	_ =	swait.ge [sflag:s2], $0x800  }
0xac: {  	[sflag:s2] =	ssyncset.done $0x0  }
0xad: {  	[sflag:s2] =	ssyncadd.s32 $0xFFFFF800  }
0xae: {  	s0 =	sadd.s32 $0x1, s0;
	_ =	swait.ge [sflag:s10], $0x800  }
0xaf: {  	p0 =	sne.s32 s0, $0xE;
	[sflag:s10] =	ssyncset.done $0x0  }
.Ltmp3:
0xb0: {  	[sflag:s10] =	ssyncadd.s32 $0xFFFFF800;
	(pc) =	sbr.rel @p0 .LBB2_6-.Ltmp3, $4  }
0xb1: {  	[spmem:s1] =	stream.indirect.scatter.add.f32 [tilespmem:s21], [sflag:$0x8], $0x10, s28, s15, $0xb8;
	[tilespmem:$0x10400] =	vst v63  }
0xb2: {  	_ =	swait.ge [sflag:s3], $0x800  }
0xb3: {  	[sflag:s3] =	ssyncset.done $0x0  }
0xb4: {  	[sflag:s3] =	ssyncadd.s32 $0xFFFFF800  }
0xb5: {  	s0 =	stileid.u32;
	[bflag:$0x0] =	sbarrier.arrive $0xFFFF  }
0xb6: {  	s0 =	sshll.u32 s0, $0x6;
	s9 =	rddreg [dreg:$0x4]  }
0xb7: {  	s16 =	rddreg [dreg:$0x6];
	s0 =	sor.u32 $0x1C09, s0  }
0xb8: {  	[hbm:s9], [sflag:s0] =	dma.local [spmem:s16], $0x1900  }
0xb9: {  	_ =	swait.ge [sflag:s12], $0x1900  }
0xba: {  	s9 =	rddreg [dreg:$0x3]  }
0xbb: {  	s25 =	rddreg [dreg:$0x5];
	s16 =	sadd.s32 $0x1, s9  }
0xbc: {  	p0 =	sne.s32 s16, s25  }
.Ltmp4:
0xbd: {  	_ = 	snop;
	(pc) =	sbr.rel @p0 .LBB2_1-.Ltmp4, $3  }
0xbe: {  	_ =	sdelay $0x1  }
0xbf: {  	[sflag:s12] =	ssyncset.done $0x0  }
0xc0: {  	[sflag:s12] =	ssyncadd.s32 $0xFFFFE700  }
0xc1: {  	_ =	sfence.sel $0x180000  }
0xc2: {  	[bflag:$0x0] =	sbarrier.arrive $0xFFFF  }
0xc3: {  	_ =	strace $0x9000004A  }
0xc4: {  	s0 =	stileid.u32;
	[bflag:$0x2] =	sbarrier.arrive $0xFFFF  }
0xc5: {  	p0 =	sne.s32 s0, $0x0;
	s0 =	rddreg [dreg:$0x2]  }
0xc6: {  	s0 =	sadd.s32 @!p0 $0x100000, s0  }
0xc7: {  	[sflag:s0] =	ssyncadd.tile.s32 @!p0 $0x1;
	_ =	shalt  }
.Lfunc_end2:
_tile_overlayer_lowered:
.L_overlay_start_2:
0xc8: {  	(tag) =	ssettag $0x2  }
0xc9: {  	s0 =	rddreg [dreg:$0x0];
	s2 =	stileid.u32  }
0xca: {  	s1 =	rddreg [dreg:$0x1];
	p0 =	sne.s32 s2, $0x0  }
0xcb: {  	s3 =	rddreg [dreg:$0x2];
	[bflag:$0x3] =	sbarrier.arrive $0xFFFF;
	s2 =	simm.s32 @!p0 $0x1C09  }
0xcc: {  	[timem:s3], [sflag:s2] =	dma.local @!p0 [hbm:s0], s1  }
0xcd: {  	s0 =	simm.s32 @!p0 $0x9  }
0xce: {  	_ =	swait.ge @!p0 [sflag:s0], s1  }
0xcf: {  	s1 =	ssub.s32 @!p0 $0x0, s1;
	[sflag:s0] =	ssyncset.done @!p0 $0x0  }
0xd0: {  	[sflag:s0] =	ssyncadd.s32 @!p0 s1  }
0xd1: {  	[bflag:$0x3] =	sbarrier.arrive $0xFFFF  }
0xd2: {  	_ =	shalt  }

// kernel: kernel.14.cloned.1.call-start
scs
__scs_entry_jumppad:
0x0: {  	(pc) =	sbr.rel $0x88, $3  }
0x1: {  	(tag) =	ssettag $0x0;
	lr =	simm.s32 $0x1  }
0x2: {  	[smem:$0x3F92] =	sst lr;
	_ =	strace $0xD0000000  }
0x3: {  	_ = 	snop  }
0x4: {  	_ = 	snop  }
0x5: {  	_ = 	snop  }
0x6: {  	_ = 	snop  }
0x7: {  	_ = 	snop  }
__scs_overlays_trampoline_lowered:
0x8: {  	[smem:$0x3FA1] =	sst s0  }
0x9: {  	[smem:$0x3FA2] =	sst s1  }
0xa: {  	[smem:$0x3FA3] =	sst s2  }
0xb: {  	[smem:$0x3FA4] =	sst s3  }
0xc: {  	[smem:$0x3FA5] =	sst s4  }
0xd: {  	[smem:$0x3FA6] =	sst s5  }
0xe: {  	[smem:$0x3FA7] =	sst s6  }
0xf: {  	[smem:$0x3FA8] =	sst s7  }
0x10: {  	[smem:$0x3FA9] =	sst s8  }
0x11: {  	[smem:$0x3FAA] =	sst s9;
	s0 =	simm.s32 @!p0 $0x0  }
0x12: {  	s1 =	sld [smem:$0x3F90];
	s0 =	simm.s32 @p0 $0x1  }
0x13: {  	[smem:$0x3FAB] =	sst s0;
	s0 =	simm.s32 @!p1 $0x0  }
0x14: {  	s2 =	sld [smem:$0x3F8F];
	s0 =	simm.s32 @p1 $0x1  }
0x15: {  	[smem:$0x3FAC] =	sst s0;
	s0 =	simm.s32 @!p2 $0x0  }
0x16: {  	s3 =	sld [smem:$0x3FDB];
	s0 =	simm.s32 @p2 $0x1  }
0x17: {  	s4 =	simm.s32 $0x1BF5;
	[smem:$0x3FAE] =	sst s0  }
0x18: {  	s0 =	sld [smem:$0x3F91];
	_ =	swait.ge [sflag:s4], $0x0  }
0x19: {  	s7 =	sld [smem:$0x3F92]  }
0x1a: {  	s8 =	sadd.s32 $0xFFFFE003, lr  }
0x1b: {  	s9 =	sadd.s32 $0xFFFFFEF7, lr;
	s5 =	simm.s32 $0xFFFFFFFF;
	p2 =	slt.u32 s8, $0xFFFFF086  }
0x1c: {  	p1 =	slt.u32 s9, $0xF7A;
	s5 =	simm.s32 @!p2 $0x0  }
0x1d: {  	s5 =	simm.s32 @p1 $0x1;
	p0 =	seq.s32 s7, s2  }
0x1e: {  	s7 =	smul.u32 @!p0 $0xF7A, s2;
	p2 =	seq.s32 @!p0 s5, $0x0  }
0x1f: {  	s9 =	smul.u32 $0xF7A, s1;
	s8 =	simm.s32 @!p0 $0x1BF5;
	p2 =	por !p2, p0  }
0x20: {  	[sflag:s8] =	ssyncset.s32 @!p0 $0xFFFFF086;
	s6 =	sadd.s32 @!p0 s3, s7;
	s7 =	simm.s32 @!p0 $0x108  }
0x21: {  	s3 =	sadd.s32 s3, s9;
	s6 =	sadd.s32 @!p0 $0x88, s6;
	s7 =	simm.s32 @p2 $0x1082  }
0x22: {  	[simem:s7], [sflag:s8] =	dma.local @!p0 [hbm:s6], $0xF7A  }
0x23: {  	s9 =	sor.u32 $0xD0000000, s2;
	s6 =	simm.s32 $0x108;
	_ =	swait.ge @!p0 [sflag:s8], $0x0  }
0x24: {  	s3 =	sadd.s32 $0x88, s3;
	s6 =	simm.s32 @!p1 $0x1082;
	[sflag:s4] =	ssyncset.s32 $0xFFFFF086  }
0x25: {  	[simem:s6], [sflag:s4] =	dma.local [hbm:s3], $0xF7A  }
0x26: {  	[smem:$0x3F92] =	sst s1;
	(tag) =	ssettag s2;
	_ =	strace s9  }
0x27: {  	s1 =	sld [smem:$0x3FA2]  }
0x28: {  	s2 =	sld [smem:$0x3FA3]  }
0x29: {  	s4 =	sld [smem:$0x3FA5]  }
0x2a: {  	p0 =	seq.s32 s5, $0x0;
	s5 =	sld [smem:$0x3FA6]  }
0x2b: {  	s6 =	sld [smem:$0x3FA7]  }
0x2c: {  	s7 =	sld [smem:$0x3FA8]  }
0x2d: {  	s3 =	simm.s32 $0x108;
	s8 =	sld [smem:$0x3FA9]  }
0x2e: {  	s3 =	simm.s32 @!p0 $0x1082;
	s9 =	sld [smem:$0x3FAA]  }
0x2f: {  	lr =	sadd.s32 s0, s3;
	s0 =	sld [smem:$0x3FA1]  }
0x30: {  	s3 =	sld [smem:$0x3FA4]  }
0x31: {  	[smem:$0x3FAD] =	sst s10  }
0x32: {  	s10 =	sld [smem:$0x3FAB];
	_ =	sdelay $0x3  }
0x33: {  	p0 =	seq.s32 s10, $0x1;
	s10 =	sld [smem:$0x3FAD];
	_ =	sdelay $0x3  }
0x34: {  	[smem:$0x3FAD] =	sst s10  }
0x35: {  	s10 =	sld [smem:$0x3FAC];
	_ =	sdelay $0x3  }
0x36: {  	p1 =	seq.s32 s10, $0x1;
	s10 =	sld [smem:$0x3FAD];
	_ =	sdelay $0x3  }
0x37: {  	[smem:$0x3FAD] =	sst s10  }
0x38: {  	s10 =	sld [smem:$0x3FAE]  }
0x39: {  	_ = 	snop;
	(pc) =	sbr.ind lr, $3  }
0x3a: {  	_ = 	snop  }
0x3b: {  	_ = 	snop  }
0x3c: {  	p2 =	seq.s32 s10, $0x1;
	s10 =	sld [smem:$0x3FAD]  }
0x3d: {  	_ =	shalt  }
0x3e: {  	_ =	shalt  }
0x3f: {  	_ =	shalt  }
0x40: {  	_ =	shalt  }
0x41: {  	_ =	shalt  }
0x42: {  	_ =	shalt  }
0x43: {  	_ =	shalt  }
0x44: {  	_ =	shalt  }
0x45: {  	_ =	shalt  }
0x46: {  	_ =	shalt  }
0x47: {  	_ =	shalt  }
0x48: {  	_ =	shalt  }
0x49: {  	_ =	shalt  }
0x4a: {  	_ =	shalt  }
0x4b: {  	_ =	shalt  }
0x4c: {  	_ =	shalt  }
0x4d: {  	_ =	shalt  }
0x4e: {  	_ =	shalt  }
0x4f: {  	_ =	shalt  }
0x50: {  	_ =	shalt  }
0x51: {  	_ =	shalt  }
0x52: {  	_ =	shalt  }
0x53: {  	_ =	shalt  }
0x54: {  	_ =	shalt  }
0x55: {  	_ =	shalt  }
0x56: {  	_ =	shalt  }
0x57: {  	_ =	shalt  }
0x58: {  	_ =	shalt  }
0x59: {  	_ =	shalt  }
0x5a: {  	_ =	shalt  }
0x5b: {  	_ =	shalt  }
0x5c: {  	_ =	shalt  }
0x5d: {  	_ =	shalt  }
0x5e: {  	_ =	shalt  }
0x5f: {  	_ =	shalt  }
0x60: {  	_ =	shalt  }
0x61: {  	_ =	shalt  }
0x62: {  	_ =	shalt  }
0x63: {  	_ =	shalt  }
0x64: {  	_ =	shalt  }
0x65: {  	_ =	shalt  }
0x66: {  	_ =	shalt  }
0x67: {  	_ =	shalt  }
0x68: {  	_ =	shalt  }
0x69: {  	_ =	shalt  }
0x6a: {  	_ =	shalt  }
0x6b: {  	_ =	shalt  }
0x6c: {  	_ =	shalt  }
0x6d: {  	_ =	shalt  }
0x6e: {  	_ =	shalt  }
0x6f: {  	_ =	shalt  }
0x70: {  	_ =	shalt  }
0x71: {  	_ =	shalt  }
0x72: {  	_ =	shalt  }
0x73: {  	_ =	shalt  }
0x74: {  	_ =	shalt  }
0x75: {  	_ =	shalt  }
0x76: {  	_ =	shalt  }
0x77: {  	_ =	shalt  }
0x78: {  	_ =	shalt  }
0x79: {  	_ =	shalt  }
0x7a: {  	_ =	shalt  }
0x7b: {  	_ =	shalt  }
0x7c: {  	_ =	shalt  }
0x7d: {  	_ =	shalt  }
0x7e: {  	_ =	shalt  }
0x7f: {  	_ =	shalt  }
0x80: {  	_ =	shalt  }
0x81: {  	_ =	shalt  }
0x82: {  	_ =	shalt  }
0x83: {  	_ =	shalt  }
0x84: {  	_ =	shalt  }
0x85: {  	_ =	shalt  }
0x86: {  	_ =	shalt  }
0x87: {  	_ =	shalt  }
.Lfunc_end0:
.L_simem_size_0:
called_computation.2_lowered:
.L_overlay_start_0:
0x88: {  	s2 =	sld [smem:$0x3FD9]  }
0x89: {  	s3 =	sld [smem:$0x3FFE];
	_ =	sdelay $0x1  }
0x8a: {  	s1 =	srdreg.scid  }
0x8b: {  	s0 =	sand.u32 $0x1, s1  }
0x8c: {  	s16 =	sshll.u32 s0, $0xA;
	s2 =	sadd.s32 s3, s2  }
0x8d: {  	s2 =	sadd.s32 s2, s16  }
0x8e: {  	[smem:$0x3FB9] =	sst s2  }
0x8f: {  	_ = 	snop  }
0x90: {  	(tm) =	ssettm $0x1  }
0x91: {  	s17 =	sld [smem:$0x3FFB];
	_ =	sdelay $0x3  }
0x92: {  	_ =	strace s17  }
0x93: {  	s2 =	sld [smem:$0x3FFC];
	_ =	sdelay $0x3  }
0x94: {  	_ =	strace s2  }
0x95: {  	s2 =	sld [smem:$0x3FFD];
	_ =	sdelay $0x3  }
0x96: {  	_ =	strace s2  }
0x97: {  	_ =	strace $0x8FFFFFFF  }
0x98: {  	s18 =	sld [smem:$0x3FDB];
	_ =	sdelay $0x1  }
0x99: {  	s19 =	simm.s32 $_scs_section_size  }
0x9a: {  	s4 =	simm.s32 $_size__tile_overlayer_lowered;
	s5 =	simm.s32 $_tile_overlayer_lowered  }
0x9b: {  	s22 =	simm.s32 $0x1BFF;
	s21 =	sshll.u32 s5, $0x1;
	s2 =	sadd.s32 s19, s18  }
0x9c: {  	s6 =	simm.s32 $0x0;
	s20 =	sshll.u32 s4, $0x1;
	s4 =	sadd.s32 s21, s2  }
0x9d: {  	[timem:s6], [sflag:s22] =	dma.local [hbm:s4], s20  }
0x9e: {  	_ =	swait.ge [sflag:s22], s20  }
0x9f: {  	s3 =	ssub.s32 $0x0, s20;
	[sflag:s22] =	ssyncset.done $0x0  }
0xa0: {  	[sflag:s22] =	ssyncadd.s32 s3;
	_ =	sdelay $0x1  }
0xa1: {  	s23 =	simm.s32 $0x1B8B  }
0xa2: {  	_ =	swait.ge [sflag:s23], $0x1  }
0xa3: {  	[sflag:s23] =	ssyncset.done $0x0  }
0xa4: {  	s25 =	simm.s32 $0x1B8E;
	s24 =	sld [smem:$0x3FFE];
	[sflag:s23] =	ssyncadd.s32 $0xFFFFFFFF  }
0xa5: {  	s26 =	simm.s32 $execute0_lowered;
	[smem:$0x3FD2] =	sst s25  }
0xa6: {  	s4 =	sshll.u32 s26, $0x1;
	_ =	strace $0x8000004C;
	[dreg:$0x1] =	wrdreg $0xFFFFFFFF  }
0xa7: {  	s28 =	simm.s32 $_size_execute0_lowered;
	s2 =	sadd.s32 s2, s4;
	[dreg:$0x0] =	wrdreg $0x0  }
0xa8: {  	s4 =	sshll.u32 s28, $0x1;
	[dreg:$0x2] =	wrdreg s2  }
0xa9: {  	[dreg:$0x3] =	wrdreg s4  }
0xaa: {  	[dreg:$0x4] =	wrdreg $0xC0  }
0xab: {  	_ =	task [dreg:s6], $0x5FFFF  }
0xac: {  	[dreg:$0x1] =	wrdreg $0xFFFFFFFF  }
0xad: {  	[dreg:$0x0] =	wrdreg $0x60  }
0xae: {  	[dreg:$0x2] =	wrdreg s24  }
0xaf: {  	[dreg:$0x3] =	wrdreg $0x0  }
0xb0: {  	[dreg:$0x4] =	wrdreg $0x9  }
0xb1: {  	_ =	task.clear_ibuf [dreg:s6], $0x5FFFF;
	_ =	strace $0x9000004C  }
0xb2: {  	s29 =	simm.s32 $0x9;
	_ =	strace $0x8000004E  }
0xb3: {  	_ =	swait.ge [sflag:s29], $0x1  }
0xb4: {  	[sflag:s29] =	ssyncadd.s32 $0xFFFFFFFF  }
0xb5: {  	_ =	strace $0x9000004E  }
0xb6: {  	_ =	sfence  }
0xb7: {  	s30 =	sld [smem:$0x0];
	_ =	sdelay $0x2  }
0xb8: {  	s31 =	sshll.u32 s1, $0xD;
	s1 =	sshrl.u32 s1, $0x2  }
0xb9: {  	s3 =	sand.u32 $0x4000, s31;
	s1 =	sadd.s32 s1, s30  }
0xba: {  	s0 =	sor.u32 s3, s0;
	s1 =	sshll.u32 s1, $0x11  }
0xbb: {  	s0 =	sor.u32 s1, s0  }
0xbc: {  	s0 =	sadd.s32 $0x8F2B, s0  }
0xbd: {  	[sflag:s0] =	ssyncadd.remote.s32 $0x1  }
0xbe: {  	_ =	sfence.sel $0xFFFF  }
0xbf: {  	[dreg:$0x0] =	wrdreg $0xFFFFFFFF;
	(pc) =	sbr.abs _section_cstart, $3  }
0xc0: {  	[dreg:$0x1] =	wrdreg $0xFFFFFFFF  }
0xc1: {  	_ =	task.clear_ibuf [dreg:s6], $0x2FFFF;
	_ =	strace $0x9FFFFFFF  }
0xc2: {  	(tm) =	ssettm $0x7FFFFFFF  }
0xc3: {  	_ =	shalt  }
tec
execute0_lowered:
.L_overlay_start_1:
0x0: {  	(tag) =	ssettag $0x1  }
0x1: {  	s0 =	rddreg [dreg:$0x0]  }
0x2: {  	s1 =	rddreg [dreg:$0x1];
	s2 =	srdreg.scid;
	s16 =	simm.s32 $0x0  }
0x3: {  	s10 =	stileid.u32;
	s11 =	simm.s32 $0x1AC00;
	s12 =	simm.s32 $0x9  }
0x4: {  	s13 =	simm.s32 $0x19000;
	s14 =	simm.s32 $0x19E00;
	s15 =	simm.s32 $0x80  }
0x5: {  	s17 =	simm.s32 $0x1BC00;
	s19 =	simm.s32 $0x1CC00;
	s21 =	simm.s32 $0x1DC00  }
0x6: {  	s22 =	simm.s32 $0x1;
	s23 =	simm.s32 $0x5;
	s29 =	simm.s32 $0x6  }
0x7: {  	s31 =	simm.s32 $0x3;
	s18 =	simm.s32 $0x1AA00;
	s20 =	simm.s32 $0x1AA80  }
0x8: {  	s28 =	simm.s32 $0x1AB80;
	s2 =	sand.u32 $0x1, s2;
	s9 =	smul.u32 $0x19000, s10  }
0x9: {  	[smem:$0x7FF] =	sst s16;
	s4 =	sadd.s32 $0x12EE00, s0;
	s8 =	smul.u32 $0x64000, s10  }
0xa: {  	s5 =	sadd.s32 $0xFDE00, s0;
	s6 =	sadd.s32 $0x1C00, s0;
	s3 =	smul.u32 $0x190000, s2  }
0xb: {  	_ =	strace $0x8000004D;
	s7 =	ssub.s32 $0x2, s2;
	s2 =	sshll.u32 s2, $0x4  }
0xc: {  	s24 =	sshrl.u32 s7, $0x1;
	s2 =	sor.u32 s10, s2;
	s3 =	sadd.s32 s9, s3  }
0xd: {  	s25 =	sshrl.u32 s8, $0x2;
	s26 =	sadd.s32 s9, s1;
	s3 =	sshrl.u32 s3, $0x3  }
0xe: {  	s10 =	simm.s32 $0x4;
	s8 =	smul.u32 $0xC400, s2;
	s0 =	sadd.s32 s3, s0  }
0xf: {  	s2 =	simm.s32 $0x7;
	s3 =	ssub.s32 s7, s24;
	s0 =	sadd.s32 $0x160E00, s0  }
0x10: {  	s7 =	sadd.s32 s25, s1;
	s30 =	smax.u32 s3, $0x1;
	[dreg:$0x4] =	wrdreg s0  }
0x11: {  	s24 =	simm.s32 $0x1AB00;
	[dreg:$0x5] =	wrdreg s30;
	s0 =	sshrl.u32 s26, $0x3  }
0x12: {  	v0 =	vimm.f32 $0.0e+00;
	s3 =	simm.s32 $0x8;
	s26 =	simm.s32 $0x2;
	[dreg:$0x6] =	wrdreg s0  }
.LBB2_1:
0x13: {  	s0 =	simm.s32 $0x0;
	s9 =	simm.s32 $0x0  }
.LBB2_2:
0x14: {  	p0 =	sne.s32 s9, $0x3FC0  }
.Ltmp0:
0x15: {  	_ = 	snop;
	(pc) =	sbr.rel @p0 .LBB2_2-.Ltmp0, $4  }
0x16: {  	s25 =	sand.u32 $0x3F80, s9  }
0x17: {  	s30 =	sand.u32 $0x10, s0;
	s25 =	sshrl.u32 s25, $0x2  }
0x18: {  	s25 =	sor.u32 s30, s25  }
0x19: {  	s0 =	sadd.s32 $0x10, s0;
	s9 =	sadd.s32 $0x40, s9;
	[tilespmem:s25+$0x1AC00] =	vst v0  }
0x1a: {  	[dreg:$0x3] =	wrdreg s16;
	s0 =	sadd.s32 $0x0, s7  }
0x1b: {  	[spmem:s0] =	stream.linear.scatter [tilespmem:s11], [sflag:$0x9], $0x1000, $0x38;
	[tilespmem:$0x1EC00] =	vst v63  }
0x1c: {  	s0 =	simm.s32 $0x4000;
	_ =	swait.ge [sflag:s12], $0x1000  }
.LBB2_4:
0x1d: {  	s9 =	sshra.s32 s0, $0x2;
	[sflag:s12] =	ssyncset.done $0x0;
	p0 =	sne.s32 s0, $0x60000  }
.Ltmp1:
0x1e: {  	s9 =	sadd.s32 s9, s7;
	[sflag:s12] =	ssyncadd.s32 $0xFFFFF000;
	(pc) =	sbr.rel @p0 .LBB2_4-.Ltmp1, $3  }
0x1f: {  	[spmem:s9] =	stream.linear.scatter [tilespmem:s11], [sflag:$0x9], $0x1000, $0x38;
	[tilespmem:$0x1EC00] =	vst v63  }
0x20: {  	s0 =	sadd.s32 $0x4000, s0;
	_ =	sdelay $0x1  }
0x21: {  	_ =	swait.ge [sflag:s12], $0x1000  }
0x22: {  	[sflag:s12] =	ssyncset.done $0x0  }
0x23: {  	[sflag:s12] =	ssyncadd.s32 $0xFFFFF000  }
0x24: {  	s30 =	simm.s32 $0x0;
	s0 =	simm.s32 $0x0;
	[bflag:$0x0] =	sbarrier.arrive $0xFFFF  }
.LBB2_6:
0x25: {  	s9 =	smul.u32 $0xE00, s0;
	_ =	sdelay $0x1  }
0x26: {  	s9 =	sadd.s32 s8, s9  }
0x27: {  	s9 =	sshrl.u32 s9, $0x3  }
0x28: {  	s25 =	sadd.s32 s5, s9  }
0x29: {  	[tilespmem:s13], [sflag:$0x9] =	stream.linear.gather [hbm4b:s25+s30], $0xE00, $0x38;
	[tilespmem:$0x1EC00] =	vst v63  }
0x2a: {  	_ =	swait.ge [sflag:s12], $0xE00  }
0x2b: {  	[sflag:s12] =	ssyncset.done $0x0  }
0x2c: {  	s9 =	sadd.s32 s6, s9;
	[sflag:s12] =	ssyncadd.s32 $0xFFFFF200  }
0x2d: {  	[tilespmem:s14], [sflag:$0x9] =	stream.linear.gather [hbm4b:s9+s30], $0xE00, $0x38;
	[tilespmem:$0x1EC00] =	vst v63  }
0x2e: {  	_ =	swait.ge [sflag:s12], $0xE00  }
0x2f: {  	[sflag:s12] =	ssyncset.done $0x0  }
0x30: {  	[sflag:s12] =	ssyncadd.s32 $0xFFFFF200  }
0x31: {  	[tilespmem:s11], [sflag:$0x1] =	stream.indirect.gather [hbm4b:s4+s15], $0x20, s13, s15, $0xb8;
	[tilespmem:$0x1EC00] =	vst v63  }
0x32: {  	s16 =	simm.s32 $0x19080  }
0x33: {  	[tilespmem:s17], [sflag:$0x2] =	stream.indirect.gather [hbm4b:s4+s15], $0x20, s16, s15, $0xb8;
	[tilespmem:$0x1EC00] =	vst v63  }
0x34: {  	s25 =	simm.s32 $0x19100  }
0x35: {  	[tilespmem:s19], [sflag:$0x3] =	stream.indirect.gather [hbm4b:s4+s15], $0x20, s25, s15, $0xb8;
	[tilespmem:$0x1EC00] =	vst v63  }
0x36: {  	s16 =	simm.s32 $0x19180  }
0x37: {  	[tilespmem:s21], [sflag:$0x4] =	stream.indirect.gather [hbm4b:s4+s15], $0x20, s16, s15, $0xb8;
	[tilespmem:$0x1EC00] =	vst v63  }
0x38: {  	_ =	swait.ge [sflag:s22], $0x1000  }
0x39: {  	[sflag:s22] =	ssyncset.done $0x0  }
0x3a: {  	[sflag:s22] =	ssyncadd.s32 $0xFFFFF000  }
0x3b: {  	[spmem:s1] =	stream.indirect.scatter.add.f32 [tilespmem:s11], [sflag:$0x5], $0x20, s14, s15, $0xb8;
	[tilespmem:$0x1EC00] =	vst v63  }
0x3c: {  	_ =	swait.ge [sflag:s23], $0x1000  }
0x3d: {  	[sflag:s23] =	ssyncset.done $0x0  }
0x3e: {  	s25 =	simm.s32 $0x19200;
	[sflag:s23] =	ssyncadd.s32 $0xFFFFF000  }
0x3f: {  	[tilespmem:s11], [sflag:$0x1] =	stream.indirect.gather [hbm4b:s4+s15], $0x20, s25, s15, $0xb8;
	[tilespmem:$0x1EC00] =	vst v63  }
0x40: {  	_ =	swait.ge [sflag:s26], $0x1000  }
0x41: {  	[sflag:s26] =	ssyncset.done $0x0  }
0x42: {  	s16 =	simm.s32 $0x19E80;
	[sflag:s26] =	ssyncadd.s32 $0xFFFFF000  }
0x43: {  	[spmem:s1] =	stream.indirect.scatter.add.f32 [tilespmem:s17], [sflag:$0x6], $0x20, s16, s15, $0xb8;
	[tilespmem:$0x1EC00] =	vst v63  }
0x44: {  	_ =	swait.ge [sflag:s29], $0x1000  }
0x45: {  	[sflag:s29] =	ssyncset.done $0x0  }
0x46: {  	s25 =	simm.s32 $0x19280;
	[sflag:s29] =	ssyncadd.s32 $0xFFFFF000  }
0x47: {  	[tilespmem:s17], [sflag:$0x2] =	stream.indirect.gather [hbm4b:s4+s15], $0x20, s25, s15, $0xb8;
	[tilespmem:$0x1EC00] =	vst v63  }
0x48: {  	_ =	swait.ge [sflag:s31], $0x1000  }
0x49: {  	[sflag:s31] =	ssyncset.done $0x0  }
0x4a: {  	s16 =	simm.s32 $0x19F00;
	[sflag:s31] =	ssyncadd.s32 $0xFFFFF000  }
0x4b: {  	[spmem:s1] =	stream.indirect.scatter.add.f32 [tilespmem:s19], [sflag:$0x7], $0x20, s16, s15, $0xb8;
	[tilespmem:$0x1EC00] =	vst v63  }
0x4c: {  	_ =	swait.ge [sflag:s2], $0x1000  }
0x4d: {  	[sflag:s2] =	ssyncset.done $0x0  }
0x4e: {  	s25 =	simm.s32 $0x19300;
	[sflag:s2] =	ssyncadd.s32 $0xFFFFF000  }
0x4f: {  	[tilespmem:s19], [sflag:$0x3] =	stream.indirect.gather [hbm4b:s4+s15], $0x20, s25, s15, $0xb8;
	[tilespmem:$0x1EC00] =	vst v63  }
0x50: {  	_ =	swait.ge [sflag:s10], $0x1000  }
0x51: {  	[sflag:s10] =	ssyncset.done $0x0  }
0x52: {  	s16 =	simm.s32 $0x19F80;
	[sflag:s10] =	ssyncadd.s32 $0xFFFFF000  }
0x53: {  	[spmem:s1] =	stream.indirect.scatter.add.f32 [tilespmem:s21], [sflag:$0x8], $0x20, s16, s15, $0xb8;
	[tilespmem:$0x1EC00] =	vst v63  }
0x54: {  	_ =	swait.ge [sflag:s3], $0x1000  }
0x55: {  	[sflag:s3] =	ssyncset.done $0x0  }
0x56: {  	s25 =	simm.s32 $0x19380;
	[sflag:s3] =	ssyncadd.s32 $0xFFFFF000  }
0x57: {  	[tilespmem:s21], [sflag:$0x4] =	stream.indirect.gather [hbm4b:s4+s15], $0x20, s25, s15, $0xb8;
	[tilespmem:$0x1EC00] =	vst v63  }
0x58: {  	_ =	swait.ge [sflag:s22], $0x1000  }
0x59: {  	[sflag:s22] =	ssyncset.done $0x0  }
0x5a: {  	s16 =	simm.s32 $0x1A000;
	[sflag:s22] =	ssyncadd.s32 $0xFFFFF000  }
0x5b: {  	[spmem:s1] =	stream.indirect.scatter.add.f32 [tilespmem:s11], [sflag:$0x5], $0x20, s16, s15, $0xb8;
	[tilespmem:$0x1EC00] =	vst v63  }
0x5c: {  	_ =	swait.ge [sflag:s23], $0x1000  }
0x5d: {  	[sflag:s23] =	ssyncset.done $0x0  }
0x5e: {  	s25 =	simm.s32 $0x19400;
	[sflag:s23] =	ssyncadd.s32 $0xFFFFF000  }
0x5f: {  	[tilespmem:s11], [sflag:$0x1] =	stream.indirect.gather [hbm4b:s4+s15], $0x20, s25, s15, $0xb8;
	[tilespmem:$0x1EC00] =	vst v63  }
0x60: {  	_ =	swait.ge [sflag:s26], $0x1000  }
0x61: {  	[sflag:s26] =	ssyncset.done $0x0  }
0x62: {  	s16 =	simm.s32 $0x1A080;
	[sflag:s26] =	ssyncadd.s32 $0xFFFFF000  }
0x63: {  	[spmem:s1] =	stream.indirect.scatter.add.f32 [tilespmem:s17], [sflag:$0x6], $0x20, s16, s15, $0xb8;
	[tilespmem:$0x1EC00] =	vst v63  }
0x64: {  	_ =	swait.ge [sflag:s29], $0x1000  }
0x65: {  	[sflag:s29] =	ssyncset.done $0x0  }
0x66: {  	s25 =	simm.s32 $0x19480;
	[sflag:s29] =	ssyncadd.s32 $0xFFFFF000  }
0x67: {  	[tilespmem:s17], [sflag:$0x2] =	stream.indirect.gather [hbm4b:s4+s15], $0x20, s25, s15, $0xb8;
	[tilespmem:$0x1EC00] =	vst v63  }
0x68: {  	_ =	swait.ge [sflag:s31], $0x1000  }
0x69: {  	[sflag:s31] =	ssyncset.done $0x0  }
0x6a: {  	s16 =	simm.s32 $0x1A100;
	[sflag:s31] =	ssyncadd.s32 $0xFFFFF000  }
0x6b: {  	[spmem:s1] =	stream.indirect.scatter.add.f32 [tilespmem:s19], [sflag:$0x7], $0x20, s16, s15, $0xb8;
	[tilespmem:$0x1EC00] =	vst v63  }
0x6c: {  	_ =	swait.ge [sflag:s2], $0x1000  }
0x6d: {  	[sflag:s2] =	ssyncset.done $0x0  }
0x6e: {  	s25 =	simm.s32 $0x19500;
	[sflag:s2] =	ssyncadd.s32 $0xFFFFF000  }
0x6f: {  	[tilespmem:s19], [sflag:$0x3] =	stream.indirect.gather [hbm4b:s4+s15], $0x20, s25, s15, $0xb8;
	[tilespmem:$0x1EC00] =	vst v63  }
0x70: {  	_ =	swait.ge [sflag:s10], $0x1000  }
0x71: {  	[sflag:s10] =	ssyncset.done $0x0  }
0x72: {  	s9 =	simm.s32 $0x800;
	s25 =	simm.s32 $0x1A180;
	[sflag:s10] =	ssyncadd.s32 $0xFFFFF000  }
.LBB2_7:
0x73: {  	[spmem:s1] =	stream.indirect.scatter.add.f32 [tilespmem:s21], [sflag:$0x8], $0x20, s25, s15, $0xb8;
	[tilespmem:$0x1EC00] =	vst v63  }
0x74: {  	s25 =	smov.u32 s9  }
0x75: {  	p0 =	sne.s32 s9, $0x2000;
	s9 =	sadd.s32 $0x800, s9;
	_ =	swait.ge [sflag:s3], $0x1000  }
0x76: {  	s25 =	sshra.s32 s25, $0x2;
	[sflag:s3] =	ssyncset.done $0x0  }
0x77: {  	s16 =	sadd.s32 $0x19380, s25;
	[sflag:s3] =	ssyncadd.s32 $0xFFFFF000  }
0x78: {  	[tilespmem:s21], [sflag:$0x4] =	stream.indirect.gather [hbm4b:s4+s15], $0x20, s16, s15, $0xb8;
	[tilespmem:$0x1EC00] =	vst v63  }
0x79: {  	_ =	swait.ge [sflag:s22], $0x1000  }
0x7a: {  	[sflag:s22] =	ssyncset.done $0x0  }
0x7b: {  	s16 =	sadd.s32 $0x1A000, s25;
	[sflag:s22] =	ssyncadd.s32 $0xFFFFF000  }
0x7c: {  	[spmem:s1] =	stream.indirect.scatter.add.f32 [tilespmem:s11], [sflag:$0x5], $0x20, s16, s15, $0xb8;
	[tilespmem:$0x1EC00] =	vst v63  }
0x7d: {  	_ =	swait.ge [sflag:s23], $0x1000  }
0x7e: {  	[sflag:s23] =	ssyncset.done $0x0  }
0x7f: {  	s16 =	sadd.s32 $0x19400, s25;
	[sflag:s23] =	ssyncadd.s32 $0xFFFFF000  }
0x80: {  	[tilespmem:s11], [sflag:$0x1] =	stream.indirect.gather [hbm4b:s4+s15], $0x20, s16, s15, $0xb8;
	[tilespmem:$0x1EC00] =	vst v63  }
0x81: {  	_ =	swait.ge [sflag:s26], $0x1000  }
0x82: {  	[sflag:s26] =	ssyncset.done $0x0  }
0x83: {  	s16 =	sadd.s32 $0x1A080, s25;
	[sflag:s26] =	ssyncadd.s32 $0xFFFFF000  }
0x84: {  	[spmem:s1] =	stream.indirect.scatter.add.f32 [tilespmem:s17], [sflag:$0x6], $0x20, s16, s15, $0xb8;
	[tilespmem:$0x1EC00] =	vst v63  }
0x85: {  	_ =	swait.ge [sflag:s29], $0x1000  }
0x86: {  	[sflag:s29] =	ssyncset.done $0x0  }
0x87: {  	s16 =	sadd.s32 $0x19480, s25;
	[sflag:s29] =	ssyncadd.s32 $0xFFFFF000  }
0x88: {  	[tilespmem:s17], [sflag:$0x2] =	stream.indirect.gather [hbm4b:s4+s15], $0x20, s16, s15, $0xb8;
	[tilespmem:$0x1EC00] =	vst v63  }
0x89: {  	_ =	swait.ge [sflag:s31], $0x1000  }
0x8a: {  	[sflag:s31] =	ssyncset.done $0x0  }
0x8b: {  	s16 =	sadd.s32 $0x1A100, s25;
	[sflag:s31] =	ssyncadd.s32 $0xFFFFF000  }
0x8c: {  	[spmem:s1] =	stream.indirect.scatter.add.f32 [tilespmem:s19], [sflag:$0x7], $0x20, s16, s15, $0xb8;
	[tilespmem:$0x1EC00] =	vst v63  }
0x8d: {  	_ =	swait.ge [sflag:s2], $0x1000  }
0x8e: {  	[sflag:s2] =	ssyncset.done $0x0  }
.Ltmp2:
0x8f: {  	s16 =	sadd.s32 $0x19500, s25;
	[sflag:s2] =	ssyncadd.s32 $0xFFFFF000;
	(pc) =	sbr.rel @p0 .LBB2_7-.Ltmp2, $4  }
0x90: {  	[tilespmem:s19], [sflag:$0x3] =	stream.indirect.gather [hbm4b:s4+s15], $0x20, s16, s15, $0xb8;
	[tilespmem:$0x1EC00] =	vst v63  }
0x91: {  	_ =	swait.ge [sflag:s10], $0x1000  }
0x92: {  	[sflag:s10] =	ssyncset.done $0x0  }
0x93: {  	s25 =	sadd.s32 $0x1A180, s25;
	[sflag:s10] =	ssyncadd.s32 $0xFFFFF000  }
0x94: {  	[spmem:s1] =	stream.indirect.scatter.add.f32 [tilespmem:s21], [sflag:$0x8], $0x20, s25, s15, $0xb8;
	[tilespmem:$0x1EC00] =	vst v63  }
0x95: {  	_ =	swait.ge [sflag:s3], $0x1000  }
0x96: {  	[sflag:s3] =	ssyncset.done $0x0  }
0x97: {  	s9 =	simm.s32 $0x19D80;
	[sflag:s3] =	ssyncadd.s32 $0xFFFFF000  }
0x98: {  	[tilespmem:s21], [sflag:$0x4] =	stream.indirect.gather [hbm4b:s4+s15], $0x20, s9, s15, $0xb8;
	[tilespmem:$0x1EC00] =	vst v63  }
0x99: {  	_ =	swait.ge [sflag:s22], $0x1000  }
0x9a: {  	[sflag:s22] =	ssyncset.done $0x0  }
0x9b: {  	[sflag:s22] =	ssyncadd.s32 $0xFFFFF000  }
0x9c: {  	[spmem:s1] =	stream.indirect.scatter.add.f32 [tilespmem:s11], [sflag:$0x5], $0x20, s18, s15, $0xb8;
	[tilespmem:$0x1EC00] =	vst v63  }
0x9d: {  	_ =	swait.ge [sflag:s23], $0x1000  }
0x9e: {  	[sflag:s23] =	ssyncset.done $0x0  }
0x9f: {  	[sflag:s23] =	ssyncadd.s32 $0xFFFFF000  }
0xa0: {  	_ =	swait.ge [sflag:s26], $0x1000  }
0xa1: {  	[sflag:s26] =	ssyncset.done $0x0  }
0xa2: {  	[sflag:s26] =	ssyncadd.s32 $0xFFFFF000  }
0xa3: {  	[spmem:s1] =	stream.indirect.scatter.add.f32 [tilespmem:s17], [sflag:$0x6], $0x20, s20, s15, $0xb8;
	[tilespmem:$0x1EC00] =	vst v63  }
0xa4: {  	_ =	swait.ge [sflag:s29], $0x1000  }
0xa5: {  	[sflag:s29] =	ssyncset.done $0x0  }
0xa6: {  	[sflag:s29] =	ssyncadd.s32 $0xFFFFF000  }
0xa7: {  	_ =	swait.ge [sflag:s31], $0x1000  }
0xa8: {  	[sflag:s31] =	ssyncset.done $0x0  }
0xa9: {  	[sflag:s31] =	ssyncadd.s32 $0xFFFFF000  }
0xaa: {  	[spmem:s1] =	stream.indirect.scatter.add.f32 [tilespmem:s19], [sflag:$0x7], $0x20, s24, s15, $0xb8;
	[tilespmem:$0x1EC00] =	vst v63  }
0xab: {  	_ =	swait.ge [sflag:s2], $0x1000  }
0xac: {  	[sflag:s2] =	ssyncset.done $0x0  }
0xad: {  	[sflag:s2] =	ssyncadd.s32 $0xFFFFF000  }
0xae: {  	s0 =	sadd.s32 $0x1, s0;
	_ =	swait.ge [sflag:s10], $0x1000  }
0xaf: {  	p0 =	sne.s32 s0, $0xE;
	[sflag:s10] =	ssyncset.done $0x0  }
.Ltmp3:
0xb0: {  	[sflag:s10] =	ssyncadd.s32 $0xFFFFF000;
	(pc) =	sbr.rel @p0 .LBB2_6-.Ltmp3, $4  }
0xb1: {  	[spmem:s1] =	stream.indirect.scatter.add.f32 [tilespmem:s21], [sflag:$0x8], $0x20, s28, s15, $0xb8;
	[tilespmem:$0x1EC00] =	vst v63  }
0xb2: {  	_ =	swait.ge [sflag:s3], $0x1000  }
0xb3: {  	[sflag:s3] =	ssyncset.done $0x0  }
0xb4: {  	[sflag:s3] =	ssyncadd.s32 $0xFFFFF000  }
0xb5: {  	s0 =	stileid.u32;
	[bflag:$0x0] =	sbarrier.arrive $0xFFFF  }
0xb6: {  	s0 =	sshll.u32 s0, $0x6;
	s9 =	rddreg [dreg:$0x4]  }
0xb7: {  	s16 =	rddreg [dreg:$0x6];
	s0 =	sor.u32 $0x1C09, s0  }
0xb8: {  	[hbm:s9], [sflag:s0] =	dma.local [spmem:s16], $0x3200  }
0xb9: {  	_ =	swait.ge [sflag:s12], $0x3200  }
0xba: {  	s25 =	rddreg [dreg:$0x3]  }
0xbb: {  	s30 =	rddreg [dreg:$0x5];
	s16 =	sadd.s32 $0x1, s25  }
0xbc: {  	p0 =	sne.s32 s16, s30  }
.Ltmp4:
0xbd: {  	_ = 	snop;
	(pc) =	sbr.rel @p0 .LBB2_1-.Ltmp4, $3  }
0xbe: {  	_ =	sdelay $0x1  }
0xbf: {  	[sflag:s12] =	ssyncset.done $0x0  }
0xc0: {  	[sflag:s12] =	ssyncadd.s32 $0xFFFFCE00  }
0xc1: {  	_ =	sfence.sel $0x180000  }
0xc2: {  	[bflag:$0x0] =	sbarrier.arrive $0xFFFF  }
0xc3: {  	_ =	strace $0x9000004D  }
0xc4: {  	s0 =	stileid.u32;
	[bflag:$0x2] =	sbarrier.arrive $0xFFFF  }
0xc5: {  	p0 =	sne.s32 s0, $0x0;
	s0 =	rddreg [dreg:$0x2]  }
0xc6: {  	s0 =	sadd.s32 @!p0 $0x100000, s0  }
0xc7: {  	[sflag:s0] =	ssyncadd.tile.s32 @!p0 $0x1;
	_ =	shalt  }
.Lfunc_end2:
_tile_overlayer_lowered:
.L_overlay_start_2:
0xc8: {  	(tag) =	ssettag $0x2  }
0xc9: {  	s0 =	rddreg [dreg:$0x0];
	s2 =	stileid.u32  }
0xca: {  	s1 =	rddreg [dreg:$0x1];
	p0 =	sne.s32 s2, $0x0  }
0xcb: {  	s3 =	rddreg [dreg:$0x2];
	[bflag:$0x3] =	sbarrier.arrive $0xFFFF;
	s2 =	simm.s32 @!p0 $0x1C09  }
0xcc: {  	[timem:s3], [sflag:s2] =	dma.local @!p0 [hbm:s0], s1  }
0xcd: {  	s0 =	simm.s32 @!p0 $0x9  }
0xce: {  	_ =	swait.ge @!p0 [sflag:s0], s1  }
0xcf: {  	s1 =	ssub.s32 @!p0 $0x0, s1;
	[sflag:s0] =	ssyncset.done @!p0 $0x0  }
0xd0: {  	[sflag:s0] =	ssyncadd.s32 @!p0 s1  }
0xd1: {  	[bflag:$0x3] =	sbarrier.arrive $0xFFFF  }
0xd2: {  	_ =	shalt  }

// kernel: kernel.8.cloned.1.call-start
scs
__scs_entry_jumppad:
0x0: {  	(pc) =	sbr.rel $0x88, $3  }
0x1: {  	(tag) =	ssettag $0x0;
	lr =	simm.s32 $0x1  }
0x2: {  	[smem:$0x3F92] =	sst lr;
	_ =	strace $0xD0000000  }
0x3: {  	_ = 	snop  }
0x4: {  	_ = 	snop  }
0x5: {  	_ = 	snop  }
0x6: {  	_ = 	snop  }
0x7: {  	_ = 	snop  }
__scs_overlays_trampoline_lowered:
0x8: {  	[smem:$0x3FA1] =	sst s0  }
0x9: {  	[smem:$0x3FA2] =	sst s1  }
0xa: {  	[smem:$0x3FA3] =	sst s2  }
0xb: {  	[smem:$0x3FA4] =	sst s3  }
0xc: {  	[smem:$0x3FA5] =	sst s4  }
0xd: {  	[smem:$0x3FA6] =	sst s5  }
0xe: {  	[smem:$0x3FA7] =	sst s6  }
0xf: {  	[smem:$0x3FA8] =	sst s7  }
0x10: {  	[smem:$0x3FA9] =	sst s8  }
0x11: {  	[smem:$0x3FAA] =	sst s9;
	s0 =	simm.s32 @!p0 $0x0  }
0x12: {  	s1 =	sld [smem:$0x3F90];
	s0 =	simm.s32 @p0 $0x1  }
0x13: {  	[smem:$0x3FAB] =	sst s0;
	s0 =	simm.s32 @!p1 $0x0  }
0x14: {  	s2 =	sld [smem:$0x3F8F];
	s0 =	simm.s32 @p1 $0x1  }
0x15: {  	[smem:$0x3FAC] =	sst s0;
	s0 =	simm.s32 @!p2 $0x0  }
0x16: {  	s3 =	sld [smem:$0x3FDB];
	s0 =	simm.s32 @p2 $0x1  }
0x17: {  	s4 =	simm.s32 $0x1BF5;
	[smem:$0x3FAE] =	sst s0  }
0x18: {  	s0 =	sld [smem:$0x3F91];
	_ =	swait.ge [sflag:s4], $0x0  }
0x19: {  	s7 =	sld [smem:$0x3F92]  }
0x1a: {  	s8 =	sadd.s32 $0xFFFFE003, lr  }
0x1b: {  	s9 =	sadd.s32 $0xFFFFFEF7, lr;
	s5 =	simm.s32 $0xFFFFFFFF;
	p2 =	slt.u32 s8, $0xFFFFF086  }
0x1c: {  	p1 =	slt.u32 s9, $0xF7A;
	s5 =	simm.s32 @!p2 $0x0  }
0x1d: {  	s5 =	simm.s32 @p1 $0x1;
	p0 =	seq.s32 s7, s2  }
0x1e: {  	s7 =	smul.u32 @!p0 $0xF7A, s2;
	p2 =	seq.s32 @!p0 s5, $0x0  }
0x1f: {  	s9 =	smul.u32 $0xF7A, s1;
	s8 =	simm.s32 @!p0 $0x1BF5;
	p2 =	por !p2, p0  }
0x20: {  	[sflag:s8] =	ssyncset.s32 @!p0 $0xFFFFF086;
	s6 =	sadd.s32 @!p0 s3, s7;
	s7 =	simm.s32 @!p0 $0x108  }
0x21: {  	s3 =	sadd.s32 s3, s9;
	s6 =	sadd.s32 @!p0 $0x88, s6;
	s7 =	simm.s32 @p2 $0x1082  }
0x22: {  	[simem:s7], [sflag:s8] =	dma.local @!p0 [hbm:s6], $0xF7A  }
0x23: {  	s9 =	sor.u32 $0xD0000000, s2;
	s6 =	simm.s32 $0x108;
	_ =	swait.ge @!p0 [sflag:s8], $0x0  }
0x24: {  	s3 =	sadd.s32 $0x88, s3;
	s6 =	simm.s32 @!p1 $0x1082;
	[sflag:s4] =	ssyncset.s32 $0xFFFFF086  }
0x25: {  	[simem:s6], [sflag:s4] =	dma.local [hbm:s3], $0xF7A  }
0x26: {  	[smem:$0x3F92] =	sst s1;
	(tag) =	ssettag s2;
	_ =	strace s9  }
0x27: {  	s1 =	sld [smem:$0x3FA2]  }
0x28: {  	s2 =	sld [smem:$0x3FA3]  }
0x29: {  	s4 =	sld [smem:$0x3FA5]  }
0x2a: {  	p0 =	seq.s32 s5, $0x0;
	s5 =	sld [smem:$0x3FA6]  }
0x2b: {  	s6 =	sld [smem:$0x3FA7]  }
0x2c: {  	s7 =	sld [smem:$0x3FA8]  }
0x2d: {  	s3 =	simm.s32 $0x108;
	s8 =	sld [smem:$0x3FA9]  }
0x2e: {  	s3 =	simm.s32 @!p0 $0x1082;
	s9 =	sld [smem:$0x3FAA]  }
0x2f: {  	lr =	sadd.s32 s0, s3;
	s0 =	sld [smem:$0x3FA1]  }
0x30: {  	s3 =	sld [smem:$0x3FA4]  }
0x31: {  	[smem:$0x3FAD] =	sst s10  }
0x32: {  	s10 =	sld [smem:$0x3FAB];
	_ =	sdelay $0x3  }
0x33: {  	p0 =	seq.s32 s10, $0x1;
	s10 =	sld [smem:$0x3FAD];
	_ =	sdelay $0x3  }
0x34: {  	[smem:$0x3FAD] =	sst s10  }
0x35: {  	s10 =	sld [smem:$0x3FAC];
	_ =	sdelay $0x3  }
0x36: {  	p1 =	seq.s32 s10, $0x1;
	s10 =	sld [smem:$0x3FAD];
	_ =	sdelay $0x3  }
0x37: {  	[smem:$0x3FAD] =	sst s10  }
0x38: {  	s10 =	sld [smem:$0x3FAE]  }
0x39: {  	_ = 	snop;
	(pc) =	sbr.ind lr, $3  }
0x3a: {  	_ = 	snop  }
0x3b: {  	_ = 	snop  }
0x3c: {  	p2 =	seq.s32 s10, $0x1;
	s10 =	sld [smem:$0x3FAD]  }
0x3d: {  	_ =	shalt  }
0x3e: {  	_ =	shalt  }
0x3f: {  	_ =	shalt  }
0x40: {  	_ =	shalt  }
0x41: {  	_ =	shalt  }
0x42: {  	_ =	shalt  }
0x43: {  	_ =	shalt  }
0x44: {  	_ =	shalt  }
0x45: {  	_ =	shalt  }
0x46: {  	_ =	shalt  }
0x47: {  	_ =	shalt  }
0x48: {  	_ =	shalt  }
0x49: {  	_ =	shalt  }
0x4a: {  	_ =	shalt  }
0x4b: {  	_ =	shalt  }
0x4c: {  	_ =	shalt  }
0x4d: {  	_ =	shalt  }
0x4e: {  	_ =	shalt  }
0x4f: {  	_ =	shalt  }
0x50: {  	_ =	shalt  }
0x51: {  	_ =	shalt  }
0x52: {  	_ =	shalt  }
0x53: {  	_ =	shalt  }
0x54: {  	_ =	shalt  }
0x55: {  	_ =	shalt  }
0x56: {  	_ =	shalt  }
0x57: {  	_ =	shalt  }
0x58: {  	_ =	shalt  }
0x59: {  	_ =	shalt  }
0x5a: {  	_ =	shalt  }
0x5b: {  	_ =	shalt  }
0x5c: {  	_ =	shalt  }
0x5d: {  	_ =	shalt  }
0x5e: {  	_ =	shalt  }
0x5f: {  	_ =	shalt  }
0x60: {  	_ =	shalt  }
0x61: {  	_ =	shalt  }
0x62: {  	_ =	shalt  }
0x63: {  	_ =	shalt  }
0x64: {  	_ =	shalt  }
0x65: {  	_ =	shalt  }
0x66: {  	_ =	shalt  }
0x67: {  	_ =	shalt  }
0x68: {  	_ =	shalt  }
0x69: {  	_ =	shalt  }
0x6a: {  	_ =	shalt  }
0x6b: {  	_ =	shalt  }
0x6c: {  	_ =	shalt  }
0x6d: {  	_ =	shalt  }
0x6e: {  	_ =	shalt  }
0x6f: {  	_ =	shalt  }
0x70: {  	_ =	shalt  }
0x71: {  	_ =	shalt  }
0x72: {  	_ =	shalt  }
0x73: {  	_ =	shalt  }
0x74: {  	_ =	shalt  }
0x75: {  	_ =	shalt  }
0x76: {  	_ =	shalt  }
0x77: {  	_ =	shalt  }
0x78: {  	_ =	shalt  }
0x79: {  	_ =	shalt  }
0x7a: {  	_ =	shalt  }
0x7b: {  	_ =	shalt  }
0x7c: {  	_ =	shalt  }
0x7d: {  	_ =	shalt  }
0x7e: {  	_ =	shalt  }
0x7f: {  	_ =	shalt  }
0x80: {  	_ =	shalt  }
0x81: {  	_ =	shalt  }
0x82: {  	_ =	shalt  }
0x83: {  	_ =	shalt  }
0x84: {  	_ =	shalt  }
0x85: {  	_ =	shalt  }
0x86: {  	_ =	shalt  }
0x87: {  	_ =	shalt  }
.Lfunc_end0:
.L_simem_size_0:
called_computation_lowered:
.L_overlay_start_0:
0x88: {  	s2 =	sld [smem:$0x3FD9]  }
0x89: {  	s3 =	sld [smem:$0x3FFE];
	_ =	sdelay $0x1  }
0x8a: {  	s1 =	srdreg.scid  }
0x8b: {  	s0 =	sand.u32 $0x1, s1  }
0x8c: {  	s16 =	sshll.u32 s0, $0xA;
	s2 =	sadd.s32 s3, s2  }
0x8d: {  	s2 =	sadd.s32 s2, s16  }
0x8e: {  	[smem:$0x3FB9] =	sst s2  }
0x8f: {  	_ = 	snop  }
0x90: {  	(tm) =	ssettm $0x1  }
0x91: {  	s17 =	sld [smem:$0x3FFB];
	_ =	sdelay $0x3  }
0x92: {  	_ =	strace s17  }
0x93: {  	s2 =	sld [smem:$0x3FFC];
	_ =	sdelay $0x3  }
0x94: {  	_ =	strace s2  }
0x95: {  	s2 =	sld [smem:$0x3FFD];
	_ =	sdelay $0x3  }
0x96: {  	_ =	strace s2  }
0x97: {  	_ =	strace $0x8FFFFFFF  }
0x98: {  	s18 =	sld [smem:$0x3FDB];
	_ =	sdelay $0x1  }
0x99: {  	s19 =	simm.s32 $_scs_section_size  }
0x9a: {  	s4 =	simm.s32 $_size__tile_overlayer_lowered;
	s5 =	simm.s32 $_tile_overlayer_lowered  }
0x9b: {  	s22 =	simm.s32 $0x1BFF;
	s21 =	sshll.u32 s5, $0x1;
	s2 =	sadd.s32 s19, s18  }
0x9c: {  	s6 =	simm.s32 $0x0;
	s20 =	sshll.u32 s4, $0x1;
	s4 =	sadd.s32 s21, s2  }
0x9d: {  	[timem:s6], [sflag:s22] =	dma.local [hbm:s4], s20  }
0x9e: {  	_ =	swait.ge [sflag:s22], s20  }
0x9f: {  	s3 =	ssub.s32 $0x0, s20;
	[sflag:s22] =	ssyncset.done $0x0  }
0xa0: {  	[sflag:s22] =	ssyncadd.s32 s3;
	_ =	sdelay $0x1  }
0xa1: {  	s23 =	simm.s32 $0x1B8B  }
0xa2: {  	_ =	swait.ge [sflag:s23], $0x1  }
0xa3: {  	[sflag:s23] =	ssyncset.done $0x0  }
0xa4: {  	s25 =	simm.s32 $0x1B8E;
	s24 =	sld [smem:$0x3FFE];
	[sflag:s23] =	ssyncadd.s32 $0xFFFFFFFF  }
0xa5: {  	s26 =	simm.s32 $execute0_lowered;
	[smem:$0x3FD2] =	sst s25  }
0xa6: {  	s4 =	sshll.u32 s26, $0x1;
	_ =	strace $0x80000046;
	[dreg:$0x1] =	wrdreg $0xFFFFFFFF  }
0xa7: {  	s28 =	simm.s32 $_size_execute0_lowered;
	s2 =	sadd.s32 s2, s4;
	[dreg:$0x0] =	wrdreg $0x0  }
0xa8: {  	s4 =	sshll.u32 s28, $0x1;
	[dreg:$0x2] =	wrdreg s2  }
0xa9: {  	[dreg:$0x3] =	wrdreg s4  }
0xaa: {  	[dreg:$0x4] =	wrdreg $0xC0  }
0xab: {  	_ =	task [dreg:s6], $0x5FFFF  }
0xac: {  	[dreg:$0x1] =	wrdreg $0xFFFFFFFF  }
0xad: {  	[dreg:$0x0] =	wrdreg $0x60  }
0xae: {  	[dreg:$0x2] =	wrdreg s24  }
0xaf: {  	[dreg:$0x3] =	wrdreg $0x0  }
0xb0: {  	[dreg:$0x4] =	wrdreg $0x9  }
0xb1: {  	_ =	task.clear_ibuf [dreg:s6], $0x5FFFF;
	_ =	strace $0x90000046  }
0xb2: {  	s29 =	simm.s32 $0x9;
	_ =	strace $0x80000048  }
0xb3: {  	_ =	swait.ge [sflag:s29], $0x1  }
0xb4: {  	[sflag:s29] =	ssyncadd.s32 $0xFFFFFFFF  }
0xb5: {  	_ =	strace $0x90000048  }
0xb6: {  	_ =	sfence  }
0xb7: {  	s30 =	sld [smem:$0x0];
	_ =	sdelay $0x2  }
0xb8: {  	s31 =	sshll.u32 s1, $0xD;
	s1 =	sshrl.u32 s1, $0x2  }
0xb9: {  	s3 =	sand.u32 $0x4000, s31;
	s1 =	sadd.s32 s1, s30  }
0xba: {  	s0 =	sor.u32 s3, s0;
	s1 =	sshll.u32 s1, $0x11  }
0xbb: {  	s0 =	sor.u32 s1, s0  }
0xbc: {  	s0 =	sadd.s32 $0x8F2B, s0  }
0xbd: {  	[sflag:s0] =	ssyncadd.remote.s32 $0x1  }
0xbe: {  	_ =	sfence.sel $0xFFFF  }
0xbf: {  	[dreg:$0x0] =	wrdreg $0xFFFFFFFF;
	(pc) =	sbr.abs _section_cstart, $3  }
0xc0: {  	[dreg:$0x1] =	wrdreg $0xFFFFFFFF  }
0xc1: {  	_ =	task.clear_ibuf [dreg:s6], $0x2FFFF;
	_ =	strace $0x9FFFFFFF  }
0xc2: {  	(tm) =	ssettm $0x7FFFFFFF  }
0xc3: {  	_ =	shalt  }
tec
execute0_lowered:
.L_overlay_start_1:
0x0: {  	(tag) =	ssettag $0x1  }
0x1: {  	s5 =	rddreg [dreg:$0x0]  }
0x2: {  	s0 =	srdreg.scid;
	s2 =	rddreg [dreg:$0x1]  }
0x3: {  	s3 =	simm.s32 $0x0;
	s11 =	simm.s32 $0x80;
	s4 =	sand.u32 $0x1, s0  }
0x4: {  	s12 =	simm.s32 $0xD080;
	s0 =	stileid.u32;
	s7 =	smul.u32 $0xC800, s4  }
0x5: {  	[smem:$0x7FF] =	sst s3;
	s1 =	sshll.u32 s4, $0x4;
	s8 =	smul.u32 $0xC80, s0  }
0x6: {  	s9 =	smul.u32 $0x3200, s0;
	s4 =	ssub.s32 $0x2, s4;
	s13 =	sshll.u32 s0, $0x6  }
0x7: {  	s1 =	sor.u32 s0, s1;
	s10 =	sshrl.u32 s4, $0x1;
	s13 =	sor.u32 $0x1C01, s13  }
0x8: {  	s6 =	smul.u32 $0x1880, s1;
	s1 =	rddreg [dreg:$0x2];
	_ =	strace $0x80000047  }
0x9: {  	s7 =	sadd.s32 s8, s7;
	s9 =	sshrl.u32 s9, $0x2;
	s10 =	ssub.s32 s4, s10  }
0xa: {  	s14 =	sadd.s32 s8, s2;
	s8 =	simm.s32 $0xD100;
	s7 =	sshrl.u32 s7, $0x3  }
0xb: {  	s4 =	sadd.s32 s9, s2;
	s9 =	simm.s32 $0x1;
	s6 =	sadd.s32 s6, s5  }
0xc: {  	s14 =	sshrl.u32 s14, $0x3;
	s7 =	sadd.s32 s7, s5;
	s5 =	sadd.s32 $0x1C00, s6  }
0xd: {  	v0 =	vimm.f32 $1.000000000e+00;
	v1 =	vimm.f32 $0.0e+00;
	s6 =	sadd.s32 $0x32C00, s7;
	s7 =	smax.u32 s10, $0x1;
	s10 =	simm.s32 $0xC80  }
.LBB2_1:
0xe: {  	[tilespmem:$0xD080] =	vst v0  }
0xf: {  	[tilespmem:$0xD100] =	vst v1  }
0x10: {  	[tilespmem:$0xD090] =	vst v0  }
0x11: {  	[tilespmem:$0xD110] =	vst v1  }
0x12: {  	[tilespmem:$0xD0A0] =	vst v0  }
0x13: {  	[tilespmem:$0xD120] =	vst v1  }
0x14: {  	[tilespmem:$0xD0B0] =	vst v0  }
0x15: {  	[tilespmem:$0xD130] =	vst v1  }
0x16: {  	[tilespmem:$0xD0C0] =	vst v0  }
0x17: {  	[tilespmem:$0xD140] =	vst v1  }
0x18: {  	[tilespmem:$0xD0D0] =	vst v0  }
0x19: {  	[tilespmem:$0xD150] =	vst v1  }
0x1a: {  	[tilespmem:$0xD0E0] =	vst v0  }
0x1b: {  	[tilespmem:$0xD160] =	vst v1  }
0x1c: {  	[tilespmem:$0xD0F0] =	vst v0  }
0x1d: {  	[tilespmem:$0xD170] =	vst v1;
	s15 =	sadd.s32 $0x0, s4  }
0x1e: {  	[spmem:s15] =	stream.linear.scatter [tilespmem:s8], [sflag:$0x1], $0x80, $0x38;
	[tilespmem:$0xD180] =	vst v63  }
0x1f: {  	s15 =	simm.s32 $0x200;
	_ =	swait.ge [sflag:s9], $0x80  }
.LBB2_2:
0x20: {  	s16 =	sshra.s32 s15, $0x2;
	[sflag:s9] =	ssyncset.done $0x0;
	p0 =	sne.s32 s15, $0x3000  }
.Ltmp0:
0x21: {  	s16 =	sadd.s32 s16, s4;
	[sflag:s9] =	ssyncadd.s32 $0xFFFFFF80;
	(pc) =	sbr.rel @p0 .LBB2_2-.Ltmp0, $3  }
0x22: {  	[spmem:s16] =	stream.linear.scatter [tilespmem:s8], [sflag:$0x1], $0x80, $0x38;
	[tilespmem:$0xD180] =	vst v63  }
0x23: {  	s15 =	sadd.s32 $0x200, s15;
	_ =	sdelay $0x1  }
0x24: {  	_ =	swait.ge [sflag:s9], $0x80  }
0x25: {  	[sflag:s9] =	ssyncset.done $0x0  }
0x26: {  	[sflag:s9] =	ssyncadd.s32 $0xFFFFFF80  }
0x27: {  	s15 =	simm.s32 $0x0;
	[bflag:$0x0] =	sbarrier.arrive $0xFFFF  }
0x28: {  	[tilespmem:s10], [sflag:$0x1] =	stream.linear.gather [hbm4b:s5+s15], $0xC400, $0x38;
	[tilespmem:$0xD180] =	vst v63  }
0x29: {  	_ =	swait.ge [sflag:s9], $0xC400  }
0x2a: {  	[sflag:s9] =	ssyncset.done $0x0  }
0x2b: {  	s31 =	simm.s32 $0xC80;
	[sflag:s9] =	ssyncadd.s32 $0xFFFF3C00  }
0x2c: {  	[spmem:s2] =	stream.indirect.scatter.add.f32 [tilespmem:s12], [sflag:$0x1], $0x1, s31, s11, $0xb8;
	[tilespmem:$0xD180] =	vst v63  }
0x2d: {  	s15 =	simm.s32 $0x200;
	_ =	swait.ge [sflag:s9], $0x80  }
.LBB2_4:
0x2e: {  	s16 =	sshra.s32 s15, $0x2;
	[sflag:s9] =	ssyncset.done $0x0;
	p0 =	sne.s32 s15, $0x30E00  }
.Ltmp1:
0x2f: {  	s16 =	sadd.s32 $0xC80, s16;
	[sflag:s9] =	ssyncadd.s32 $0xFFFFFF80;
	(pc) =	sbr.rel @p0 .LBB2_4-.Ltmp1, $3  }
0x30: {  	[spmem:s2] =	stream.indirect.scatter.add.f32 [tilespmem:s12], [sflag:$0x1], $0x1, s16, s11, $0xb8;
	[tilespmem:$0xD180] =	vst v63  }
0x31: {  	s15 =	sadd.s32 $0x200, s15;
	_ =	sdelay $0x1  }
0x32: {  	_ =	swait.ge [sflag:s9], $0x80  }
0x33: {  	[sflag:s9] =	ssyncset.done $0x0;
	s3 =	sadd.s32 $0x1, s3  }
0x34: {  	[sflag:s9] =	ssyncadd.s32 $0xFFFFFF80;
	p0 =	sne.s32 s3, s7  }
.Ltmp2:
0x35: {  	[bflag:$0x0] =	sbarrier.arrive $0xFFFF;
	(pc) =	sbr.rel @p0 .LBB2_1-.Ltmp2, $4  }
0x36: {  	[hbm:s6], [sflag:s13] =	dma.local [spmem:s14], $0x190  }
0x37: {  	_ =	swait.ge [sflag:s9], $0x190  }
0x38: {  	[sflag:s9] =	ssyncset.done $0x0  }
0x39: {  	[sflag:s9] =	ssyncadd.s32 $0xFFFFFE70  }
0x3a: {  	_ =	sfence.sel $0x180000  }
0x3b: {  	[bflag:$0x0] =	sbarrier.arrive $0xFFFF  }
0x3c: {  	p0 =	sne.s32 s0, $0x0;
	_ =	strace $0x90000047  }
0x3d: {  	s0 =	sadd.s32 @!p0 $0x100000, s1;
	[bflag:$0x2] =	sbarrier.arrive $0xFFFF  }
0x3e: {  	[sflag:s0] =	ssyncadd.tile.s32 @!p0 $0x1;
	_ =	shalt  }
.Lfunc_end2:
_tile_overlayer_lowered:
.L_overlay_start_2:
0x3f: {  	(tag) =	ssettag $0x2  }
0x40: {  	s0 =	rddreg [dreg:$0x0];
	s2 =	stileid.u32  }
0x41: {  	s1 =	rddreg [dreg:$0x1];
	p0 =	sne.s32 s2, $0x0  }
0x42: {  	s3 =	rddreg [dreg:$0x2];
	[bflag:$0x3] =	sbarrier.arrive $0xFFFF;
	s2 =	simm.s32 @!p0 $0x1C01  }
0x43: {  	[timem:s3], [sflag:s2] =	dma.local @!p0 [hbm:s0], s1  }
0x44: {  	s0 =	simm.s32 @!p0 $0x1  }
0x45: {  	_ =	swait.ge @!p0 [sflag:s0], s1  }
0x46: {  	s1 =	ssub.s32 @!p0 $0x0, s1;
	[sflag:s0] =	ssyncset.done @!p0 $0x0  }
0x47: {  	[sflag:s0] =	ssyncadd.s32 @!p0 s1  }
0x48: {  	[bflag:$0x3] =	sbarrier.arrive $0xFFFF  }
0x49: {  	_ =	shalt  }

</sc_bundles>
